<compile_context>
chip_gen: v7x
topology: tpu7x:2x2x1
jax: 0.10.2.dev20260603
libtpu: 0.0.44.dev20260713+nightly
codegen_flags: <defaults>
</compile_context>

<pallas_src>
import functools

import jax
import jax.numpy as jnp
from jax import lax
from jax.experimental import pallas as pl
from jax.experimental.pallas import tpu as pltpu
from jax.experimental.pallas import tpu_sc as plsc

_V = 100000
_E = 128
_H = 768
_PAD = 1
_B, _S = 4, 2048
_N = _B * _S
_EPS = 1e-12

_NC, _NS = 2, 16
_NW = _NC * _NS
_TPW = _N // _NW
_CH = 128

_ROWS = 64
_RPB = _S // _CH

_TB = 512
_SUB = _CH


def _posid_body(ids_ref, pid_ref, base_ref):
    ids = ids_ref[...]
    m = (ids != _PAD).astype(jnp.float32)
    ji = lax.broadcasted_iota(jnp.int32, (_CH, _CH), 0)
    si = lax.broadcasted_iota(jnp.int32, (_CH, _CH), 1)
    ltri = (ji <= si).astype(jnp.float32)
    csum = jnp.dot(m, ltri, preferred_element_type=jnp.float32)
    rowsum = csum[:, _CH - 1:_CH]
    ri = lax.broadcasted_iota(jnp.int32, (_ROWS, _ROWS), 0)
    ci = lax.broadcasted_iota(jnp.int32, (_ROWS, _ROWS), 1)
    same_batch = (ri // _RPB) == (ci // _RPB)
    prev = ((ci < ri) & same_batch).astype(jnp.float32)
    off = jnp.dot(prev, rowsum, preferred_element_type=jnp.float32)
    pid = (csum + off) * m + float(_PAD)
    pid_ref[...] = pid
    base_ref[...] = off.astype(jnp.int32)


_WC = 64


def _sc_gather_body(ids_hbm, wtab_hbm, wrows_hbm, widx, wbuf,
                    g0, g1, g2, g3, s0, s1, s2, s3):
    gsem = (g0, g1, g2, g3)
    wsem = (s0, s1, s2, s3)
    wid = lax.axis_index("s") * _NC + lax.axis_index("c")
    base = wid * _TPW
    pltpu.sync_copy(ids_hbm.at[pl.ds(base, _TPW)], widx)
    nch = _TPW // _WC
    gd = [pltpu.async_copy(
        wtab_hbm.at[widx.at[pl.ds(k * _WC, _WC)]],
        wbuf.at[pl.ds(k * _WC, _WC)], gsem[k]) for k in range(nch)]
    wd = []
    for k in range(nch):
        gd[k].wait()
        wd.append(pltpu.async_copy(
            wbuf.at[pl.ds(k * _WC, _WC)],
            wrows_hbm.at[pl.ds(base + k * _WC, _WC)], wsem[k]))
    for d in wd:
        d.wait()


@functools.lru_cache(maxsize=1)
def _sc_gather_kernel():
    return pl.kernel(
        _sc_gather_body,
        out_type=jax.ShapeDtypeStruct((_N, _E), jnp.float32),
        mesh=plsc.VectorSubcoreMesh(core_axis_name="c", subcore_axis_name="s",
                                    num_cores=_NC, num_subcores=_NS),
        scratch_types=[
            pltpu.VMEM((_TPW,), jnp.int32),
            pltpu.VMEM((_TPW, _E), jnp.float32),
        ] + [pltpu.SemaphoreType.DMA] * 8,
    )


def _fuse_body(bases_ref, w_ref, w2_ref, pid_ref, pos_ref, t_ref, g_ref,
               b_ref, o_ref):
    i = pl.program_id(0)
    y = jnp.dot(w_ref[...].astype(jnp.bfloat16),
                w2_ref[...].astype(jnp.bfloat16),
                preferred_element_type=jnp.float32)
    pid = pid_ref[...]
    pad_row = pos_ref[_PAD:_PAD + 1, :]
    win_rows = _SUB + 8
    iot = lax.broadcasted_iota(jnp.int32, (1, win_rows), 1).astype(jnp.float32)
    g = g_ref[...]
    b = b_ref[...]
    t = t_ref[...]
    inv_h = jnp.float32(1.0 / _H)
    for k in range(_TB // _SUB):
        base = bases_ref[(_TB // _SUB) * i + k]
        start8 = pl.multiple_of(((base + 2) // 8) * 8, 8)
        win = pos_ref[pl.ds(start8, win_rows), :]
        pid_k = pid[k * _SUB:(k + 1) * _SUB, :]
        is_pad = (pid_k < 1.5).astype(jnp.float32)
        jloc = jnp.where(pid_k < 1.5, -1.0,
                         pid_k - start8.astype(jnp.float32))
        sel = (jloc == iot).astype(jnp.float32)
        pe_k = jnp.dot(sel, win, preferred_element_type=jnp.float32)
        emb = y[k * _SUB:(k + 1) * _SUB, :] + (pe_k + (is_pad * pad_row + t))
        s1 = jnp.sum(emb, axis=-1, keepdims=True)
        s2 = jnp.sum(emb * emb, axis=-1, keepdims=True)
        mu = s1 * inv_h
        scale = lax.rsqrt(jnp.maximum(s2 * inv_h - mu * mu, 0.0) + _EPS)
        sg = scale * g
        o_ref[k * _SUB:(k + 1) * _SUB, :] = emb * sg - mu * sg + b


_PROWS = _S + 8


def kernel(input_ids, word_emb, W2, pos_emb, type_emb, ln_g, ln_b):
    ids64 = input_ids.reshape(_ROWS, _CH).astype(jnp.int32)

    ids_flat = ids64.reshape(_N)
    wrows = _sc_gather_kernel()(ids_flat, word_emb)

    pid64, bases = pl.pallas_call(
        _posid_body,
        out_shape=(
            jax.ShapeDtypeStruct((_ROWS, _CH), jnp.float32),
            jax.ShapeDtypeStruct((_ROWS, 1), jnp.int32),
        ),
    )(ids64)

    pid_col = pid64.reshape(_N, 1)
    bases_flat = bases.reshape(_ROWS)

    grid = (_N // _TB,)
    out = pl.pallas_call(
        _fuse_body,
        grid=grid,
        in_specs=[
            pl.BlockSpec(memory_space=pltpu.SMEM),
            pl.BlockSpec((_TB, _E), lambda i: (i, 0)),
            pl.BlockSpec((_E, _H), lambda i: (0, 0)),
            pl.BlockSpec((_TB, 1), lambda i: (i, 0)),
            pl.BlockSpec((_PROWS, _H), lambda i: (0, 0)),
            pl.BlockSpec((1, _H), lambda i: (0, 0)),
            pl.BlockSpec((1, _H), lambda i: (0, 0)),
            pl.BlockSpec((1, _H), lambda i: (0, 0)),
        ],
        out_specs=pl.BlockSpec((_TB, _H), lambda i: (i, 0)),
        out_shape=jax.ShapeDtypeStruct((_N, _H), jnp.float32),
    )(bases_flat, wrows, W2, pid_col, pos_emb, type_emb[0:1],
      ln_g.reshape(1, _H), ln_b.reshape(1, _H))

    return out.reshape(_B, _S, _H)

# --- scband reference (transcript-rebuilt; emitter-appended) ---
"""Pipeline reference for scband-small-embeddings-30915174597220 (READ-ONLY COPY).

The authoritative reference and input builder live on the scoring server;
editing this copy changes nothing except your own understanding.
"""

import jax, jax.numpy as jnp
import numpy as np

V = 100000   # vocab_size
E = 128      # embedding_size (factorized)
H = 768      # hidden_size
P = 4096     # max_position_embeddings
T = 2        # type_vocab_size
PAD = 1      # pad_token_id / padding_idx
B, S = 4, 2048
EPS = 1e-12


def setup_inputs(seed: int = 0) -> dict:
    key = jax.random.key(seed)
    ks = jax.random.split(key, 6)
    input_ids = jax.random.randint(ks[0], (B, S), 0, V)
    word_emb = jax.random.normal(ks[1], (V, E), dtype=jnp.float32) * 0.02
    W2 = jax.random.normal(ks[2], (E, H), dtype=jnp.float32) * 0.02  # Linear(E->H, bias=False), stored as (in, out)
    pos_emb = jax.random.normal(ks[3], (P, H), dtype=jnp.float32) * 0.02
    type_emb = jax.random.normal(ks[4], (T, H), dtype=jnp.float32) * 0.02
    ln_g = jnp.ones((H,), dtype=jnp.float32)
    ln_b = jnp.zeros((H,), dtype=jnp.float32)
    return {
        'input_ids': input_ids,
        'word_emb': word_emb,
        'W2': W2,
        'pos_emb': pos_emb,
        'type_emb': type_emb,
        'ln_g': ln_g,
        'ln_b': ln_b,
    }


def _position_ids_from_input_ids(input_ids, padding_idx, past_key_values_length=0):
    mask = (input_ids != padding_idx).astype(jnp.int32)
    incremental = (jnp.cumsum(mask, axis=1).astype(jnp.int32) + past_key_values_length) * mask
    return incremental + padding_idx


def reference(input_ids, word_emb, W2, pos_emb, type_emb, ln_g, ln_b):
    position_ids = _position_ids_from_input_ids(input_ids, PAD)
    token_type_ids = jnp.zeros_like(input_ids)
    # factorized word embedding: gather then project E -> H
    inputs_embeds = jnp.take(word_emb, input_ids, axis=0)          # [B, S, E]
    inputs_embeds = inputs_embeds @ W2                              # [B, S, H]
    tte = jnp.take(type_emb, token_type_ids, axis=0)                # [B, S, H]
    pe = jnp.take(pos_emb, position_ids, axis=0)                    # [B, S, H]
    emb = inputs_embeds + tte + pe
    mu = jnp.mean(emb, axis=-1, keepdims=True)
    var = jnp.var(emb, axis=-1, keepdims=True)
    out = (emb - mu) / jnp.sqrt(var + EPS) * ln_g + ln_b
    # dropout with p=0.0 (eval) is identity
    return out

if __name__ == "__main__":
    import jax
    _d = setup_inputs()
    print(jax.jit(kernel)(*tuple(_d.values())))

</pallas_src>

<mosaic_0001>
#map = affine_map<(d0, d1) -> (0)>
#map1 = affine_map<(d0, d1) -> (0, 0)>
module attributes {stable_mosaic.version = 14 : i64} {
  func.func @_sc_gather_body(%arg0: i32, %arg1: i32, %arg2: memref<8192xi32, #tpu.memory_space<hbm>>, %arg3: memref<100000x128xf32, #tpu.memory_space<hbm>>, %arg4: memref<8192x128xf32, #tpu.memory_space<hbm>>, %arg5: memref<256xi32, #tpu.memory_space<vmem>>, %arg6: memref<256x128xf32, #tpu.memory_space<vmem>>, %arg7: memref<!tpu.dma_semaphore, #tpu.memory_space<semaphore_mem>>, %arg8: memref<!tpu.dma_semaphore, #tpu.memory_space<semaphore_mem>>, %arg9: memref<!tpu.dma_semaphore, #tpu.memory_space<semaphore_mem>>, %arg10: memref<!tpu.dma_semaphore, #tpu.memory_space<semaphore_mem>>, %arg11: memref<!tpu.dma_semaphore, #tpu.memory_space<semaphore_mem>>, %arg12: memref<!tpu.dma_semaphore, #tpu.memory_space<semaphore_mem>>, %arg13: memref<!tpu.dma_semaphore, #tpu.memory_space<semaphore_mem>>, %arg14: memref<!tpu.dma_semaphore, #tpu.memory_space<semaphore_mem>>) attributes {dimension_semantics = [#tpu.dimension_semantics<core_parallel>, #tpu.dimension_semantics<subcore_parallel>], iteration_bounds = array<i64: 2, 16>, scalar_prefetch = 0 : i64, scratch_operands = 10 : i64, tpu.core_type = #tpu.core_type<sc_vector_subcore>, window_params = [{transform_indices = #map}, {transform_indices = #map1}, {transform_indices = #map1}]} {
    %mul3A = arith.constant 2 : i32
    %mul3A_0 = arith.muli %arg1, %mul3A : i32
    %add3A = arith.addi %mul3A_0, %arg0 : i32
    %mul3A_1 = arith.constant 256 : i32
    %mul3A_2 = arith.muli %add3A, %mul3A_1 : i32
    "tpu.region"() ({
      %run_scoped3A = tpu.sem_alloc : memref<!tpu.dma_semaphore, #tpu.memory_space<semaphore_mem>>
      %dma_start3A_153 = tpu.memref_slice %arg2[%mul3A_2] : memref<8192xi32, #tpu.memory_space<hbm>> -> memref<256xi32, #tpu.memory_space<hbm>>
      %dma_start3A_154 = tpu.memref_slice %arg2[%mul3A_2] : memref<8192xi32, #tpu.memory_space<hbm>> -> memref<256xi32, #tpu.memory_space<hbm>>
      tpu.enqueue_dma source(%dma_start3A_154 : memref<256xi32, #tpu.memory_space<hbm>>) target(%arg5 : memref<256xi32, #tpu.memory_space<vmem>>) target_semaphore(%run_scoped3A : memref<!tpu.dma_semaphore, #tpu.memory_space<semaphore_mem>>)
      %dma_wait3A_155 = tpu.memref_slice %arg2[%mul3A_2] : memref<8192xi32, #tpu.memory_space<hbm>> -> memref<256xi32, #tpu.memory_space<hbm>>
      %dma_wait3A_156 = tpu.memref_slice %arg2[%mul3A_2] : memref<8192xi32, #tpu.memory_space<hbm>> -> memref<256xi32, #tpu.memory_space<hbm>>
      tpu.wait_dma2 semaphore(%run_scoped3A : memref<!tpu.dma_semaphore, #tpu.memory_space<semaphore_mem>>) src(%dma_wait3A_156 : memref<256xi32, #tpu.memory_space<hbm>>) dst(%arg5 : memref<256xi32, #tpu.memory_space<vmem>>)
      tpu.yield
    }) : () -> ()
    %dma_start3A = arith.constant 0 : i32
    %dma_start3A_3 = arith.constant 0 : i32
    %dma_start3A_4 = tpu.memref_slice %arg6[%dma_start3A, %dma_start3A_3] : memref<256x128xf32, #tpu.memory_space<vmem>> -> memref<64x128xf32, #tpu.memory_space<vmem>>
    %dma_start3A_5 = arith.constant 0 : i32
    %dma_start3A_6 = tpu.memref_slice %arg5[%dma_start3A_5] : memref<256xi32, #tpu.memory_space<vmem>> -> memref<64xi32, #tpu.memory_space<vmem>>
    %dma_start3A_7 = arith.constant 0 : i32
    %dma_start3A_8 = arith.constant 0 : i32
    %dma_start3A_9 = tpu.memref_slice %arg3[%dma_start3A_7, %dma_start3A_8] : memref<100000x128xf32, #tpu.memory_space<hbm>> -> memref<100000x128xf32, #tpu.memory_space<hbm>>
    tpu.enqueue_indirect_dma source(%dma_start3A_9 : memref<100000x128xf32, #tpu.memory_space<hbm>>) target(%dma_start3A_4 : memref<64x128xf32, #tpu.memory_space<vmem>>) offsets(%dma_start3A_6 : memref<64xi32, #tpu.memory_space<vmem>>) semaphore(%arg7 : memref<!tpu.dma_semaphore, #tpu.memory_space<semaphore_mem>>)
    %dma_start3A_10 = arith.constant 64 : i32
    %dma_start3A_11 = arith.constant 0 : i32
    %dma_start3A_12 = tpu.memref_slice %arg6[%dma_start3A_10, %dma_start3A_11] : memref<256x128xf32, #tpu.memory_space<vmem>> -> memref<64x128xf32, #tpu.memory_space<vmem>>
    %dma_start3A_13 = arith.constant 64 : i32
    %dma_start3A_14 = tpu.memref_slice %arg5[%dma_start3A_13] : memref<256xi32, #tpu.memory_space<vmem>> -> memref<64xi32, #tpu.memory_space<vmem>>
    %dma_start3A_15 = arith.constant 0 : i32
    %dma_start3A_16 = arith.constant 0 : i32
    %dma_start3A_17 = tpu.memref_slice %arg3[%dma_start3A_15, %dma_start3A_16] : memref<100000x128xf32, #tpu.memory_space<hbm>> -> memref<100000x128xf32, #tpu.memory_space<hbm>>
    tpu.enqueue_indirect_dma source(%dma_start3A_17 : memref<100000x128xf32, #tpu.memory_space<hbm>>) target(%dma_start3A_12 : memref<64x128xf32, #tpu.memory_space<vmem>>) offsets(%dma_start3A_14 : memref<64xi32, #tpu.memory_space<vmem>>) semaphore(%arg8 : memref<!tpu.dma_semaphore, #tpu.memory_space<semaphore_mem>>)
    %dma_start3A_18 = arith.constant 128 : i32
    %dma_start3A_19 = arith.constant 0 : i32
    %dma_start3A_20 = tpu.memref_slice %arg6[%dma_start3A_18, %dma_start3A_19] : memref<256x128xf32, #tpu.memory_space<vmem>> -> memref<64x128xf32, #tpu.memory_space<vmem>>
    %dma_start3A_21 = arith.constant 128 : i32
    %dma_start3A_22 = tpu.memref_slice %arg5[%dma_start3A_21] : memref<256xi32, #tpu.memory_space<vmem>> -> memref<64xi32, #tpu.memory_space<vmem>>
    %dma_start3A_23 = arith.constant 0 : i32
    %dma_start3A_24 = arith.constant 0 : i32
    %dma_start3A_25 = tpu.memref_slice %arg3[%dma_start3A_23, %dma_start3A_24] : memref<100000x128xf32, #tpu.memory_space<hbm>> -> memref<100000x128xf32, #tpu.memory_space<hbm>>
    tpu.enqueue_indirect_dma source(%dma_start3A_25 : memref<100000x128xf32, #tpu.memory_space<hbm>>) target(%dma_start3A_20 : memref<64x128xf32, #tpu.memory_space<vmem>>) offsets(%dma_start3A_22 : memref<64xi32, #tpu.memory_space<vmem>>) semaphore(%arg9 : memref<!tpu.dma_semaphore, #tpu.memory_space<semaphore_mem>>)
    %dma_start3A_26 = arith.constant 192 : i32
    %dma_start3A_27 = arith.constant 0 : i32
    %dma_start3A_28 = tpu.memref_slice %arg6[%dma_start3A_26, %dma_start3A_27] : memref<256x128xf32, #tpu.memory_space<vmem>> -> memref<64x128xf32, #tpu.memory_space<vmem>>
    %dma_start3A_29 = arith.constant 192 : i32
    %dma_start3A_30 = tpu.memref_slice %arg5[%dma_start3A_29] : memref<256xi32, #tpu.memory_space<vmem>> -> memref<64xi32, #tpu.memory_space<vmem>>
    %dma_start3A_31 = arith.constant 0 : i32
    %dma_start3A_32 = arith.constant 0 : i32
    %dma_start3A_33 = tpu.memref_slice %arg3[%dma_start3A_31, %dma_start3A_32] : memref<100000x128xf32, #tpu.memory_space<hbm>> -> memref<100000x128xf32, #tpu.memory_space<hbm>>
    tpu.enqueue_indirect_dma source(%dma_start3A_33 : memref<100000x128xf32, #tpu.memory_space<hbm>>) target(%dma_start3A_28 : memref<64x128xf32, #tpu.memory_space<vmem>>) offsets(%dma_start3A_30 : memref<64xi32, #tpu.memory_space<vmem>>) semaphore(%arg10 : memref<!tpu.dma_semaphore, #tpu.memory_space<semaphore_mem>>)
    %dma_wait3A = arith.constant 0 : i32
    %dma_wait3A_34 = arith.constant 0 : i32
    %dma_wait3A_35 = tpu.memref_slice %arg6[%dma_wait3A, %dma_wait3A_34] : memref<256x128xf32, #tpu.memory_space<vmem>> -> memref<64x128xf32, #tpu.memory_space<vmem>>
    %dma_wait3A_36 = arith.constant 0 : i32
    %dma_wait3A_37 = tpu.memref_slice %arg5[%dma_wait3A_36] : memref<256xi32, #tpu.memory_space<vmem>> -> memref<64xi32, #tpu.memory_space<vmem>>
    %dma_wait3A_38 = arith.constant 0 : i32
    %dma_wait3A_39 = arith.constant 0 : i32
    %dma_wait3A_40 = tpu.memref_slice %arg3[%dma_wait3A_38, %dma_wait3A_39] : memref<100000x128xf32, #tpu.memory_space<hbm>> -> memref<100000x128xf32, #tpu.memory_space<hbm>>
    tpu.wait_indirect_dma semaphore(%arg7 : memref<!tpu.dma_semaphore, #tpu.memory_space<semaphore_mem>>) src(%dma_wait3A_40 : memref<100000x128xf32, #tpu.memory_space<hbm>>) dst(%dma_wait3A_35 : memref<64x128xf32, #tpu.memory_space<vmem>>)
    %add3A_41 = arith.constant 0 : i32
    %add3A_42 = arith.addi %mul3A_2, %add3A_41 : i32
    %dma_start3A_43 = arith.constant 0 : i32
    %dma_start3A_44 = arith.constant 0 : i32
    %dma_start3A_45 = tpu.memref_slice %arg6[%dma_start3A_43, %dma_start3A_44] : memref<256x128xf32, #tpu.memory_space<vmem>> -> memref<64x128xf32, #tpu.memory_space<vmem>>
    %dma_start3A_46 = arith.constant 0 : i32
    %dma_start3A_47 = tpu.memref_slice %arg4[%add3A_42, %dma_start3A_46] : memref<8192x128xf32, #tpu.memory_space<hbm>> -> memref<64x128xf32, #tpu.memory_space<hbm>>
    %dma_start3A_48 = arith.constant 0 : i32
    %dma_start3A_49 = tpu.memref_slice %arg4[%add3A_42, %dma_start3A_48] : memref<8192x128xf32, #tpu.memory_space<hbm>> -> memref<64x128xf32, #tpu.memory_space<hbm>>
    %dma_start3A_50 = arith.constant 0 : i32
    %dma_start3A_51 = arith.constant 0 : i32
    %dma_start3A_52 = tpu.memref_slice %arg6[%dma_start3A_50, %dma_start3A_51] : memref<256x128xf32, #tpu.memory_space<vmem>> -> memref<64x128xf32, #tpu.memory_space<vmem>>
    tpu.enqueue_dma source(%dma_start3A_52 : memref<64x128xf32, #tpu.memory_space<vmem>>) target(%dma_start3A_49 : memref<64x128xf32, #tpu.memory_space<hbm>>) target_semaphore(%arg11 : memref<!tpu.dma_semaphore, #tpu.memory_space<semaphore_mem>>)
    %dma_wait3A_53 = arith.constant 64 : i32
    %dma_wait3A_54 = arith.constant 0 : i32
    %dma_wait3A_55 = tpu.memref_slice %arg6[%dma_wait3A_53, %dma_wait3A_54] : memref<256x128xf32, #tpu.memory_space<vmem>> -> memref<64x128xf32, #tpu.memory_space<vmem>>
    %dma_wait3A_56 = arith.constant 64 : i32
    %dma_wait3A_57 = tpu.memref_slice %arg5[%dma_wait3A_56] : memref<256xi32, #tpu.memory_space<vmem>> -> memref<64xi32, #tpu.memory_space<vmem>>
    %dma_wait3A_58 = arith.constant 0 : i32
    %dma_wait3A_59 = arith.constant 0 : i32
    %dma_wait3A_60 = tpu.memref_slice %arg3[%dma_wait3A_58, %dma_wait3A_59] : memref<100000x128xf32, #tpu.memory_space<hbm>> -> memref<100000x128xf32, #tpu.memory_space<hbm>>
    tpu.wait_indirect_dma semaphore(%arg8 : memref<!tpu.dma_semaphore, #tpu.memory_space<semaphore_mem>>) src(%dma_wait3A_60 : memref<100000x128xf32, #tpu.memory_space<hbm>>) dst(%dma_wait3A_55 : memref<64x128xf32, #tpu.memory_space<vmem>>)
    %add3A_61 = arith.constant 64 : i32
    %add3A_62 = arith.addi %mul3A_2, %add3A_61 : i32
    %dma_start3A_63 = arith.constant 64 : i32
    %dma_start3A_64 = arith.constant 0 : i32
    %dma_start3A_65 = tpu.memref_slice %arg6[%dma_start3A_63, %dma_start3A_64] : memref<256x128xf32, #tpu.memory_space<vmem>> -> memref<64x128xf32, #tpu.memory_space<vmem>>
    %dma_start3A_66 = arith.constant 0 : i32
    %dma_start3A_67 = tpu.memref_slice %arg4[%add3A_62, %dma_start3A_66] : memref<8192x128xf32, #tpu.memory_space<hbm>> -> memref<64x128xf32, #tpu.memory_space<hbm>>
    %dma_start3A_68 = arith.constant 0 : i32
    %dma_start3A_69 = tpu.memref_slice %arg4[%add3A_62, %dma_start3A_68] : memref<8192x128xf32, #tpu.memory_space<hbm>> -> memref<64x128xf32, #tpu.memory_space<hbm>>
    %dma_start3A_70 = arith.constant 64 : i32
    %dma_start3A_71 = arith.constant 0 : i32
    %dma_start3A_72 = tpu.memref_slice %arg6[%dma_start3A_70, %dma_start3A_71] : memref<256x128xf32, #tpu.memory_space<vmem>> -> memref<64x128xf32, #tpu.memory_space<vmem>>
    tpu.enqueue_dma source(%dma_start3A_72 : memref<64x128xf32, #tpu.memory_space<vmem>>) target(%dma_start3A_69 : memref<64x128xf32, #tpu.memory_space<hbm>>) target_semaphore(%arg12 : memref<!tpu.dma_semaphore, #tpu.memory_space<semaphore_mem>>)
    %dma_wait3A_73 = arith.constant 128 : i32
    %dma_wait3A_74 = arith.constant 0 : i32
    %dma_wait3A_75 = tpu.memref_slice %arg6[%dma_wait3A_73, %dma_wait3A_74] : memref<256x128xf32, #tpu.memory_space<vmem>> -> memref<64x128xf32, #tpu.memory_space<vmem>>
    %dma_wait3A_76 = arith.constant 128 : i32
    %dma_wait3A_77 = tpu.memref_slice %arg5[%dma_wait3A_76] : memref<256xi32, #tpu.memory_space<vmem>> -> memref<64xi32, #tpu.memory_space<vmem>>
    %dma_wait3A_78 = arith.constant 0 : i32
    %dma_wait3A_79 = arith.constant 0 : i32
    %dma_wait3A_80 = tpu.memref_slice %arg3[%dma_wait3A_78, %dma_wait3A_79] : memref<100000x128xf32, #tpu.memory_space<hbm>> -> memref<100000x128xf32, #tpu.memory_space<hbm>>
    tpu.wait_indirect_dma semaphore(%arg9 : memref<!tpu.dma_semaphore, #tpu.memory_space<semaphore_mem>>) src(%dma_wait3A_80 : memref<100000x128xf32, #tpu.memory_space<hbm>>) dst(%dma_wait3A_75 : memref<64x128xf32, #tpu.memory_space<vmem>>)
    %add3A_81 = arith.constant 128 : i32
    %add3A_82 = arith.addi %mul3A_2, %add3A_81 : i32
    %dma_start3A_83 = arith.constant 128 : i32
    %dma_start3A_84 = arith.constant 0 : i32
    %dma_start3A_85 = tpu.memref_slice %arg6[%dma_start3A_83, %dma_start3A_84] : memref<256x128xf32, #tpu.memory_space<vmem>> -> memref<64x128xf32, #tpu.memory_space<vmem>>
    %dma_start3A_86 = arith.constant 0 : i32
    %dma_start3A_87 = tpu.memref_slice %arg4[%add3A_82, %dma_start3A_86] : memref<8192x128xf32, #tpu.memory_space<hbm>> -> memref<64x128xf32, #tpu.memory_space<hbm>>
    %dma_start3A_88 = arith.constant 0 : i32
    %dma_start3A_89 = tpu.memref_slice %arg4[%add3A_82, %dma_start3A_88] : memref<8192x128xf32, #tpu.memory_space<hbm>> -> memref<64x128xf32, #tpu.memory_space<hbm>>
    %dma_start3A_90 = arith.constant 128 : i32
    %dma_start3A_91 = arith.constant 0 : i32
    %dma_start3A_92 = tpu.memref_slice %arg6[%dma_start3A_90, %dma_start3A_91] : memref<256x128xf32, #tpu.memory_space<vmem>> -> memref<64x128xf32, #tpu.memory_space<vmem>>
    tpu.enqueue_dma source(%dma_start3A_92 : memref<64x128xf32, #tpu.memory_space<vmem>>) target(%dma_start3A_89 : memref<64x128xf32, #tpu.memory_space<hbm>>) target_semaphore(%arg13 : memref<!tpu.dma_semaphore, #tpu.memory_space<semaphore_mem>>)
    %dma_wait3A_93 = arith.constant 192 : i32
    %dma_wait3A_94 = arith.constant 0 : i32
    %dma_wait3A_95 = tpu.memref_slice %arg6[%dma_wait3A_93, %dma_wait3A_94] : memref<256x128xf32, #tpu.memory_space<vmem>> -> memref<64x128xf32, #tpu.memory_space<vmem>>
    %dma_wait3A_96 = arith.constant 192 : i32
    %dma_wait3A_97 = tpu.memref_slice %arg5[%dma_wait3A_96] : memref<256xi32, #tpu.memory_space<vmem>> -> memref<64xi32, #tpu.memory_space<vmem>>
    %dma_wait3A_98 = arith.constant 0 : i32
    %dma_wait3A_99 = arith.constant 0 : i32
    %dma_wait3A_100 = tpu.memref_slice %arg3[%dma_wait3A_98, %dma_wait3A_99] : memref<100000x128xf32, #tpu.memory_space<hbm>> -> memref<100000x128xf32, #tpu.memory_space<hbm>>
    tpu.wait_indirect_dma semaphore(%arg10 : memref<!tpu.dma_semaphore, #tpu.memory_space<semaphore_mem>>) src(%dma_wait3A_100 : memref<100000x128xf32, #tpu.memory_space<hbm>>) dst(%dma_wait3A_95 : memref<64x128xf32, #tpu.memory_space<vmem>>)
    %add3A_101 = arith.constant 192 : i32
    %add3A_102 = arith.addi %mul3A_2, %add3A_101 : i32
    %dma_start3A_103 = arith.constant 192 : i32
    %dma_start3A_104 = arith.constant 0 : i32
    %dma_start3A_105 = tpu.memref_slice %arg6[%dma_start3A_103, %dma_start3A_104] : memref<256x128xf32, #tpu.memory_space<vmem>> -> memref<64x128xf32, #tpu.memory_space<vmem>>
    %dma_start3A_106 = arith.constant 0 : i32
    %dma_start3A_107 = tpu.memref_slice %arg4[%add3A_102, %dma_start3A_106] : memref<8192x128xf32, #tpu.memory_space<hbm>> -> memref<64x128xf32, #tpu.memory_space<hbm>>
    %dma_start3A_108 = arith.constant 0 : i32
    %dma_start3A_109 = tpu.memref_slice %arg4[%add3A_102, %dma_start3A_108] : memref<8192x128xf32, #tpu.memory_space<hbm>> -> memref<64x128xf32, #tpu.memory_space<hbm>>
    %dma_start3A_110 = arith.constant 192 : i32
    %dma_start3A_111 = arith.constant 0 : i32
    %dma_start3A_112 = tpu.memref_slice %arg6[%dma_start3A_110, %dma_start3A_111] : memref<256x128xf32, #tpu.memory_space<vmem>> -> memref<64x128xf32, #tpu.memory_space<vmem>>
    tpu.enqueue_dma source(%dma_start3A_112 : memref<64x128xf32, #tpu.memory_space<vmem>>) target(%dma_start3A_109 : memref<64x128xf32, #tpu.memory_space<hbm>>) target_semaphore(%arg14 : memref<!tpu.dma_semaphore, #tpu.memory_space<semaphore_mem>>)
    %dma_wait3A_113 = arith.constant 0 : i32
    %dma_wait3A_114 = arith.constant 0 : i32
    %dma_wait3A_115 = tpu.memref_slice %arg6[%dma_wait3A_113, %dma_wait3A_114] : memref<256x128xf32, #tpu.memory_space<vmem>> -> memref<64x128xf32, #tpu.memory_space<vmem>>
    %dma_wait3A_116 = arith.constant 0 : i32
    %dma_wait3A_117 = tpu.memref_slice %arg4[%add3A_42, %dma_wait3A_116] : memref<8192x128xf32, #tpu.memory_space<hbm>> -> memref<64x128xf32, #tpu.memory_space<hbm>>
    %dma_wait3A_118 = arith.constant 0 : i32
    %dma_wait3A_119 = tpu.memref_slice %arg4[%add3A_42, %dma_wait3A_118] : memref<8192x128xf32, #tpu.memory_space<hbm>> -> memref<64x128xf32, #tpu.memory_space<hbm>>
    %dma_wait3A_120 = arith.constant 0 : i32
    %dma_wait3A_121 = arith.constant 0 : i32
    %dma_wait3A_122 = tpu.memref_slice %arg6[%dma_wait3A_120, %dma_wait3A_121] : memref<256x128xf32, #tpu.memory_space<vmem>> -> memref<64x128xf32, #tpu.memory_space<vmem>>
    tpu.wait_dma2 semaphore(%arg11 : memref<!tpu.dma_semaphore, #tpu.memory_space<semaphore_mem>>) src(%dma_wait3A_122 : memref<64x128xf32, #tpu.memory_space<vmem>>) dst(%dma_wait3A_119 : memref<64x128xf32, #tpu.memory_space<hbm>>)
    %dma_wait3A_123 = arith.constant 64 : i32
    %dma_wait3A_124 = arith.constant 0 : i32
    %dma_wait3A_125 = tpu.memref_slice %arg6[%dma_wait3A_123, %dma_wait3A_124] : memref<256x128xf32, #tpu.memory_space<vmem>> -> memref<64x128xf32, #tpu.memory_space<vmem>>
    %dma_wait3A_126 = arith.constant 0 : i32
    %dma_wait3A_127 = tpu.memref_slice %arg4[%add3A_62, %dma_wait3A_126] : memref<8192x128xf32, #tpu.memory_space<hbm>> -> memref<64x128xf32, #tpu.memory_space<hbm>>
    %dma_wait3A_128 = arith.constant 0 : i32
    %dma_wait3A_129 = tpu.memref_slice %arg4[%add3A_62, %dma_wait3A_128] : memref<8192x128xf32, #tpu.memory_space<hbm>> -> memref<64x128xf32, #tpu.memory_space<hbm>>
    %dma_wait3A_130 = arith.constant 64 : i32
    %dma_wait3A_131 = arith.constant 0 : i32
    %dma_wait3A_132 = tpu.memref_slice %arg6[%dma_wait3A_130, %dma_wait3A_131] : memref<256x128xf32, #tpu.memory_space<vmem>> -> memref<64x128xf32, #tpu.memory_space<vmem>>
    tpu.wait_dma2 semaphore(%arg12 : memref<!tpu.dma_semaphore, #tpu.memory_space<semaphore_mem>>) src(%dma_wait3A_132 : memref<64x128xf32, #tpu.memory_space<vmem>>) dst(%dma_wait3A_129 : memref<64x128xf32, #tpu.memory_space<hbm>>)
    %dma_wait3A_133 = arith.constant 128 : i32
    %dma_wait3A_134 = arith.constant 0 : i32
    %dma_wait3A_135 = tpu.memref_slice %arg6[%dma_wait3A_133, %dma_wait3A_134] : memref<256x128xf32, #tpu.memory_space<vmem>> -> memref<64x128xf32, #tpu.memory_space<vmem>>
    %dma_wait3A_136 = arith.constant 0 : i32
    %dma_wait3A_137 = tpu.memref_slice %arg4[%add3A_82, %dma_wait3A_136] : memref<8192x128xf32, #tpu.memory_space<hbm>> -> memref<64x128xf32, #tpu.memory_space<hbm>>
    %dma_wait3A_138 = arith.constant 0 : i32
    %dma_wait3A_139 = tpu.memref_slice %arg4[%add3A_82, %dma_wait3A_138] : memref<8192x128xf32, #tpu.memory_space<hbm>> -> memref<64x128xf32, #tpu.memory_space<hbm>>
    %dma_wait3A_140 = arith.constant 128 : i32
    %dma_wait3A_141 = arith.constant 0 : i32
    %dma_wait3A_142 = tpu.memref_slice %arg6[%dma_wait3A_140, %dma_wait3A_141] : memref<256x128xf32, #tpu.memory_space<vmem>> -> memref<64x128xf32, #tpu.memory_space<vmem>>
    tpu.wait_dma2 semaphore(%arg13 : memref<!tpu.dma_semaphore, #tpu.memory_space<semaphore_mem>>) src(%dma_wait3A_142 : memref<64x128xf32, #tpu.memory_space<vmem>>) dst(%dma_wait3A_139 : memref<64x128xf32, #tpu.memory_space<hbm>>)
    %dma_wait3A_143 = arith.constant 192 : i32
    %dma_wait3A_144 = arith.constant 0 : i32
    %dma_wait3A_145 = tpu.memref_slice %arg6[%dma_wait3A_143, %dma_wait3A_144] : memref<256x128xf32, #tpu.memory_space<vmem>> -> memref<64x128xf32, #tpu.memory_space<vmem>>
    %dma_wait3A_146 = arith.constant 0 : i32
    %dma_wait3A_147 = tpu.memref_slice %arg4[%add3A_102, %dma_wait3A_146] : memref<8192x128xf32, #tpu.memory_space<hbm>> -> memref<64x128xf32, #tpu.memory_space<hbm>>
    %dma_wait3A_148 = arith.constant 0 : i32
    %dma_wait3A_149 = tpu.memref_slice %arg4[%add3A_102, %dma_wait3A_148] : memref<8192x128xf32, #tpu.memory_space<hbm>> -> memref<64x128xf32, #tpu.memory_space<hbm>>
    %dma_wait3A_150 = arith.constant 192 : i32
    %dma_wait3A_151 = arith.constant 0 : i32
    %dma_wait3A_152 = tpu.memref_slice %arg6[%dma_wait3A_150, %dma_wait3A_151] : memref<256x128xf32, #tpu.memory_space<vmem>> -> memref<64x128xf32, #tpu.memory_space<vmem>>
    tpu.wait_dma2 semaphore(%arg14 : memref<!tpu.dma_semaphore, #tpu.memory_space<semaphore_mem>>) src(%dma_wait3A_152 : memref<64x128xf32, #tpu.memory_space<vmem>>) dst(%dma_wait3A_149 : memref<64x128xf32, #tpu.memory_space<hbm>>)
    return
  }
}

module attributes {stable_mosaic.version = 14 : i64} {
  func.func @_posid_body(%arg0: memref<64x128xi32, #tpu.memory_space<vmem>>, %arg1: memref<64x128xf32, #tpu.memory_space<vmem>>, %arg2: memref<64x1xi32, #tpu.memory_space<vmem>>) attributes {dimension_semantics = [], scalar_prefetch = 0 : i64, scratch_operands = 0 : i64, tpu.core_type = #tpu.core_type<tc>} {
    %get3A = arith.constant 0 : index
    %get3A_0 = arith.constant 0 : index
    %get3A_1 = vector.load %arg0[%get3A, %get3A_0] : memref<64x128xi32, #tpu.memory_space<vmem>>, vector<64x128xi32>
    %ne3A = arith.constant 1 : i32
    %ne3A_2 = vector.broadcast %ne3A : i32 to vector<64x128xi32>
    %ne3A_3 = arith.cmpi ne, %get3A_1, %ne3A_2 : vector<64x128xi32>
    %convert_element_type3A = arith.extui %ne3A_3 : vector<64x128xi1> to vector<64x128xi32>
    %convert_element_type3A_4 = arith.sitofp %convert_element_type3A : vector<64x128xi32> to vector<64x128xf32>
    %iota3A = tpu.iota {dimensions = array<i32: 0>} : vector<128x128xi32>
    %iota3A_5 = tpu.iota {dimensions = array<i32: 1>} : vector<128x128xi32>
    %le3A = arith.cmpi sle, %iota3A, %iota3A_5 : vector<128x128xi32>
    %convert_element_type3A_6 = arith.extui %le3A : vector<128x128xi1> to vector<128x128xi32>
    %convert_element_type3A_7 = arith.sitofp %convert_element_type3A_6 : vector<128x128xi32> to vector<128x128xf32>
    %dot_general3A = arith.constant dense<0.000000e+00> : vector<64x128xf32>
    %dot_general3A_8 = tpu.matmul %convert_element_type3A_4, %convert_element_type3A_7, %dot_general3A {dimension_numbers = #tpu.dot_dimension_numbers<[1], [0], [0], [1], [0, 0, 1, 1], [], []>, transpose_lhs_hint = false} : vector<64x128xf32>, vector<128x128xf32>, vector<64x128xf32> -> vector<64x128xf32>
    %slice3A = vector.extract_strided_slice %dot_general3A_8 {offsets = [0, 127], sizes = [64, 1], strides = [1, 1]} : vector<64x128xf32> to vector<64x1xf32>
    %iota3A_9 = tpu.iota {dimensions = array<i32: 0>} : vector<64x64xi32>
    %iota3A_10 = tpu.iota {dimensions = array<i32: 1>} : vector<64x64xi32>
    %jit3A = arith.constant 16 : i32
    %div3A = vector.broadcast %jit3A : i32 to vector<64x64xi32>
    %div3A_11 = arith.divsi %iota3A_9, %div3A : vector<64x64xi32>
    %sign3A = arith.constant 0 : i32
    %sign3A_12 = vector.broadcast %sign3A : i32 to vector<64x64xi32>
    %sign3A_13 = arith.cmpi sgt, %iota3A_9, %sign3A_12 : vector<64x64xi32>
    %sign3A_14 = arith.extui %sign3A_13 : vector<64x64xi1> to vector<64x64xi32>
    %sign3A_15 = arith.constant 0 : i32
    %sign3A_16 = vector.broadcast %sign3A_15 : i32 to vector<64x64xi32>
    %sign3A_17 = arith.cmpi slt, %iota3A_9, %sign3A_16 : vector<64x64xi32>
    %sign3A_18 = arith.extui %sign3A_17 : vector<64x64xi1> to vector<64x64xi32>
    %sign3A_19 = arith.subi %sign3A_14, %sign3A_18 : vector<64x64xi32>
    %sign3A_20 = arith.constant 0 : i32
    %sign3A_21 = arith.cmpi sgt, %jit3A, %sign3A_20 : i32
    %sign3A_22 = arith.extui %sign3A_21 : i1 to i32
    %sign3A_23 = arith.constant 0 : i32
    %sign3A_24 = arith.cmpi slt, %jit3A, %sign3A_23 : i32
    %sign3A_25 = arith.extui %sign3A_24 : i1 to i32
    %sign3A_26 = arith.subi %sign3A_22, %sign3A_25 : i32
    %ne3A_27 = vector.broadcast %sign3A_26 : i32 to vector<64x64xi32>
    %ne3A_28 = arith.cmpi ne, %sign3A_19, %ne3A_27 : vector<64x64xi32>
    %rem3A = vector.broadcast %jit3A : i32 to vector<64x64xi32>
    %rem3A_29 = arith.remsi %iota3A_9, %rem3A : vector<64x64xi32>
    %ne3A_30 = arith.constant 0 : i32
    %ne3A_31 = vector.broadcast %ne3A_30 : i32 to vector<64x64xi32>
    %ne3A_32 = arith.cmpi ne, %rem3A_29, %ne3A_31 : vector<64x64xi32>
    %and3A = arith.andi %ne3A_28, %ne3A_32 : vector<64x64xi1>
    %sub3A = arith.constant 1 : i32
    %sub3A_33 = vector.broadcast %sub3A : i32 to vector<64x64xi32>
    %sub3A_34 = arith.subi %div3A_11, %sub3A_33 : vector<64x64xi32>
    %select_n3A = arith.select %and3A, %sub3A_34, %div3A_11 : vector<64x64xi1>, vector<64x64xi32>
    %jit3A_35 = arith.constant 16 : i32
    %div3A_36 = vector.broadcast %jit3A_35 : i32 to vector<64x64xi32>
    %div3A_37 = arith.divsi %iota3A_10, %div3A_36 : vector<64x64xi32>
    %sign3A_38 = arith.constant 0 : i32
    %sign3A_39 = vector.broadcast %sign3A_38 : i32 to vector<64x64xi32>
    %sign3A_40 = arith.cmpi sgt, %iota3A_10, %sign3A_39 : vector<64x64xi32>
    %sign3A_41 = arith.extui %sign3A_40 : vector<64x64xi1> to vector<64x64xi32>
    %sign3A_42 = arith.constant 0 : i32
    %sign3A_43 = vector.broadcast %sign3A_42 : i32 to vector<64x64xi32>
    %sign3A_44 = arith.cmpi slt, %iota3A_10, %sign3A_43 : vector<64x64xi32>
    %sign3A_45 = arith.extui %sign3A_44 : vector<64x64xi1> to vector<64x64xi32>
    %sign3A_46 = arith.subi %sign3A_41, %sign3A_45 : vector<64x64xi32>
    %sign3A_47 = arith.constant 0 : i32
    %sign3A_48 = arith.cmpi sgt, %jit3A_35, %sign3A_47 : i32
    %sign3A_49 = arith.extui %sign3A_48 : i1 to i32
    %sign3A_50 = arith.constant 0 : i32
    %sign3A_51 = arith.cmpi slt, %jit3A_35, %sign3A_50 : i32
    %sign3A_52 = arith.extui %sign3A_51 : i1 to i32
    %sign3A_53 = arith.subi %sign3A_49, %sign3A_52 : i32
    %ne3A_54 = vector.broadcast %sign3A_53 : i32 to vector<64x64xi32>
    %ne3A_55 = arith.cmpi ne, %sign3A_46, %ne3A_54 : vector<64x64xi32>
    %rem3A_56 = vector.broadcast %jit3A_35 : i32 to vector<64x64xi32>
    %rem3A_57 = arith.remsi %iota3A_10, %rem3A_56 : vector<64x64xi32>
    %ne3A_58 = arith.constant 0 : i32
    %ne3A_59 = vector.broadcast %ne3A_58 : i32 to vector<64x64xi32>
    %ne3A_60 = arith.cmpi ne, %rem3A_57, %ne3A_59 : vector<64x64xi32>
    %and3A_61 = arith.andi %ne3A_55, %ne3A_60 : vector<64x64xi1>
    %sub3A_62 = arith.constant 1 : i32
    %sub3A_63 = vector.broadcast %sub3A_62 : i32 to vector<64x64xi32>
    %sub3A_64 = arith.subi %div3A_37, %sub3A_63 : vector<64x64xi32>
    %select_n3A_65 = arith.select %and3A_61, %sub3A_64, %div3A_37 : vector<64x64xi1>, vector<64x64xi32>
    %eq3A = arith.cmpi eq, %select_n3A, %select_n3A_65 : vector<64x64xi32>
    %lt3A = arith.cmpi slt, %iota3A_10, %iota3A_9 : vector<64x64xi32>
    %and3A_66 = arith.andi %lt3A, %eq3A : vector<64x64xi1>
    %convert_element_type3A_67 = arith.extui %and3A_66 : vector<64x64xi1> to vector<64x64xi32>
    %convert_element_type3A_68 = arith.sitofp %convert_element_type3A_67 : vector<64x64xi32> to vector<64x64xf32>
    %dot_general3A_69 = arith.constant dense<0.000000e+00> : vector<64x1xf32>
    %dot_general3A_70 = tpu.matmul %convert_element_type3A_68, %slice3A, %dot_general3A_69 {dimension_numbers = #tpu.dot_dimension_numbers<[1], [0], [0], [1], [0, 0, 1, 1], [], []>, transpose_lhs_hint = false} : vector<64x64xf32>, vector<64x1xf32>, vector<64x1xf32> -> vector<64x1xf32>
    %add3A = vector.broadcast %dot_general3A_70 : vector<64x1xf32> to vector<64x128xf32>
    %add3A_71 = arith.addf %dot_general3A_8, %add3A : vector<64x128xf32>
    %mul3A = arith.mulf %add3A_71, %convert_element_type3A_4 : vector<64x128xf32>
    %add3A_72 = arith.constant 1.000000e+00 : f32
    %add3A_73 = vector.broadcast %add3A_72 : f32 to vector<64x128xf32>
    %add3A_74 = arith.addf %mul3A, %add3A_73 : vector<64x128xf32>
    %swap3A = arith.constant 0 : index
    %swap3A_75 = arith.constant 0 : index
    %swap3A_76 = vector.load %arg1[%swap3A, %swap3A_75] : memref<64x128xf32, #tpu.memory_space<vmem>>, vector<64x128xf32>
    tpu.vector_store %arg1[%swap3A, %swap3A_75], %add3A_74 {strides = array<i32>} : memref<64x128xf32, #tpu.memory_space<vmem>>, vector<64x128xf32>,
    %convert_element_type3A_77 = arith.fptosi %dot_general3A_70 : vector<64x1xf32> to vector<64x1xi32>
    %swap3A_78 = arith.constant 0 : index
    %swap3A_79 = arith.constant 0 : index
    %swap3A_80 = vector.load %arg2[%swap3A_78, %swap3A_79] : memref<64x1xi32, #tpu.memory_space<vmem>>, vector<64x1xi32>
    tpu.vector_store %arg2[%swap3A_78, %swap3A_79], %convert_element_type3A_77 {strides = array<i32>} : memref<64x1xi32, #tpu.memory_space<vmem>>, vector<64x1xi32>,
    return
  }
}

module attributes {stable_mosaic.version = 14 : i64} {
  func.func @_fuse_body(%arg0: i32, %arg1: memref<64xi32, #tpu.memory_space<smem>>, %arg2: memref<512x128xf32, #tpu.memory_space<vmem>>, %arg3: memref<128x768xf32, #tpu.memory_space<vmem>>, %arg4: memref<512x1xf32, #tpu.memory_space<vmem>>, %arg5: memref<2056x768xf32, #tpu.memory_space<vmem>>, %arg6: memref<1x768xf32, #tpu.memory_space<vmem>>, %arg7: memref<1x768xf32, #tpu.memory_space<vmem>>, %arg8: memref<1x768xf32, #tpu.memory_space<vmem>>, %arg9: memref<512x768xf32, #tpu.memory_space<vmem>>) attributes {dimension_semantics = [#tpu.dimension_semantics<arbitrary>], iteration_bounds = array<i64: 16>, scalar_prefetch = 0 : i64, scratch_operands = 0 : i64, tpu.core_type = #tpu.core_type<tc>, window_params = [{transform_indices = @transform_0, window_bounds = array<i64: 64>}, {transform_indices = @transform_1, window_bounds = array<i64: 512, 128>}, {pipeline_mode = #tpu.pipeline_mode<synchronous>, transform_indices = @transform_2, window_bounds = array<i64: 128, 768>}, {transform_indices = @transform_3, window_bounds = array<i64: 512, 1>}, {transform_indices = @transform_4, window_bounds = array<i64: 2056, 768>}, {pipeline_mode = #tpu.pipeline_mode<synchronous>, transform_indices = @transform_5, window_bounds = array<i64: 1, 768>}, {pipeline_mode = #tpu.pipeline_mode<synchronous>, transform_indices = @transform_6, window_bounds = array<i64: 1, 768>}, {pipeline_mode = #tpu.pipeline_mode<synchronous>, transform_indices = @transform_7, window_bounds = array<i64: 1, 768>}, {transform_indices = @transform_8, window_bounds = array<i64: 512, 768>}]} {
    %get3A = arith.constant 0 : index
    %get3A_0 = arith.constant 0 : index
    %get3A_1 = vector.load %arg2[%get3A, %get3A_0] : memref<512x128xf32, #tpu.memory_space<vmem>>, vector<512x128xf32>
    %convert_element_type3A = arith.truncf %get3A_1 : vector<512x128xf32> to vector<512x128xbf16>
    %get3A_2 = arith.constant 0 : index
    %get3A_3 = arith.constant 0 : index
    %get3A_4 = vector.load %arg3[%get3A_2, %get3A_3] : memref<128x768xf32, #tpu.memory_space<vmem>>, vector<128x768xf32>
    %convert_element_type3A_5 = arith.truncf %get3A_4 : vector<128x768xf32> to vector<128x768xbf16>
    %dot_general3A = arith.constant dense<0.000000e+00> : vector<512x768xf32>
    %dot_general3A_6 = tpu.matmul %convert_element_type3A, %convert_element_type3A_5, %dot_general3A {dimension_numbers = #tpu.dot_dimension_numbers<[1], [0], [0], [1], [0, 0, 1, 1], [], []>, transpose_lhs_hint = false} : vector<512x128xbf16>, vector<128x768xbf16>, vector<512x768xf32> -> vector<512x768xf32>
    %get3A_7 = arith.constant 0 : index
    %get3A_8 = arith.constant 0 : index
    %get3A_9 = vector.load %arg4[%get3A_7, %get3A_8] : memref<512x1xf32, #tpu.memory_space<vmem>>, vector<512x1xf32>
    %get3A_10 = arith.constant 1 : index
    %get3A_11 = arith.constant 0 : index
    %get3A_12 = vector.load %arg5[%get3A_10, %get3A_11] : memref<2056x768xf32, #tpu.memory_space<vmem>>, vector<1x768xf32>
    %iota3A = tpu.iota {dimensions = array<i32: 1>} : vector<1x136xi32>
    %convert_element_type3A_13 = arith.sitofp %iota3A : vector<1x136xi32> to vector<1x136xf32>
    %get3A_14 = arith.constant 0 : index
    %get3A_15 = arith.constant 0 : index
    %get3A_16 = vector.load %arg7[%get3A_14, %get3A_15] : memref<1x768xf32, #tpu.memory_space<vmem>>, vector<1x768xf32>
    %get3A_17 = arith.constant 0 : index
    %get3A_18 = arith.constant 0 : index
    %get3A_19 = vector.load %arg8[%get3A_17, %get3A_18] : memref<1x768xf32, #tpu.memory_space<vmem>>, vector<1x768xf32>
    %get3A_20 = arith.constant 0 : index
    %get3A_21 = arith.constant 0 : index
    %get3A_22 = vector.load %arg6[%get3A_20, %get3A_21] : memref<1x768xf32, #tpu.memory_space<vmem>>, vector<1x768xf32>
    %mul3A = arith.constant 4 : i32
    %mul3A_23 = arith.muli %mul3A, %arg0 : i32
    %add3A = arith.constant 0 : i32
    %add3A_24 = arith.addi %mul3A_23, %add3A : i32
    %get3A_25 = arith.index_cast %add3A_24 : i32 to index
    %get3A_26 = memref.load %arg1[%get3A_25] : memref<64xi32, #tpu.memory_space<smem>>
    %add3A_27 = arith.constant 2 : i32
    %add3A_28 = arith.addi %get3A_26, %add3A_27 : i32
    %jit3A = arith.constant 8 : i32
    %div3A = arith.divsi %add3A_28, %jit3A : i32
    %sign3A = arith.constant 0 : i32
    %sign3A_29 = arith.cmpi sgt, %add3A_28, %sign3A : i32
    %sign3A_30 = arith.extui %sign3A_29 : i1 to i32
    %sign3A_31 = arith.constant 0 : i32
    %sign3A_32 = arith.cmpi slt, %add3A_28, %sign3A_31 : i32
    %sign3A_33 = arith.extui %sign3A_32 : i1 to i32
    %sign3A_34 = arith.subi %sign3A_30, %sign3A_33 : i32
    %sign3A_35 = arith.constant 0 : i32
    %sign3A_36 = arith.cmpi sgt, %jit3A, %sign3A_35 : i32
    %sign3A_37 = arith.extui %sign3A_36 : i1 to i32
    %sign3A_38 = arith.constant 0 : i32
    %sign3A_39 = arith.cmpi slt, %jit3A, %sign3A_38 : i32
    %sign3A_40 = arith.extui %sign3A_39 : i1 to i32
    %sign3A_41 = arith.subi %sign3A_37, %sign3A_40 : i32
    %ne3A = arith.cmpi ne, %sign3A_34, %sign3A_41 : i32
    %rem3A = arith.remsi %add3A_28, %jit3A : i32
    %ne3A_42 = arith.constant 0 : i32
    %ne3A_43 = arith.cmpi ne, %rem3A, %ne3A_42 : i32
    %and3A = arith.andi %ne3A, %ne3A_43 : i1
    %sub3A = arith.constant 1 : i32
    %sub3A_44 = arith.subi %div3A, %sub3A : i32
    %select_n3A = arith.select %and3A, %sub3A_44, %div3A : i32
    %mul3A_45 = arith.constant 8 : i32
    %mul3A_46 = arith.muli %select_n3A, %mul3A_45 : i32
    %multiple_of3A = tpu.assume_multiple %mul3A_46, 8 : i32
    %get3A_47 = arith.index_cast %multiple_of3A : i32 to index
    %get3A_48 = arith.constant 0 : index
    %get3A_49 = vector.load %arg5[%get3A_47, %get3A_48] : memref<2056x768xf32, #tpu.memory_space<vmem>>, vector<136x768xf32>
    %slice3A = vector.extract_strided_slice %get3A_9 {offsets = [0, 0], sizes = [128, 1], strides = [1, 1]} : vector<512x1xf32> to vector<128x1xf32>
    %lt3A = arith.constant 1.500000e+00 : f32
    %lt3A_50 = vector.broadcast %lt3A : f32 to vector<128x1xf32>
    %lt3A_51 = arith.cmpf olt, %slice3A, %lt3A_50 : vector<128x1xf32>
    %convert_element_type3A_52 = arith.extui %lt3A_51 : vector<128x1xi1> to vector<128x1xi32>
    %convert_element_type3A_53 = arith.sitofp %convert_element_type3A_52 : vector<128x1xi32> to vector<128x1xf32>
    %lt3A_54 = arith.constant 1.500000e+00 : f32
    %lt3A_55 = vector.broadcast %lt3A_54 : f32 to vector<128x1xf32>
    %lt3A_56 = arith.cmpf olt, %slice3A, %lt3A_55 : vector<128x1xf32>
    %convert_element_type3A_57 = arith.sitofp %multiple_of3A : i32 to f32
    %sub3A_58 = vector.broadcast %convert_element_type3A_57 : f32 to vector<128x1xf32>
    %sub3A_59 = arith.subf %slice3A, %sub3A_58 : vector<128x1xf32>
    %jit3A_60 = arith.constant -1.000000e+00 : f32
    %broadcast_in_dim3A = vector.broadcast %jit3A_60 : f32 to vector<128x1xf32>
    %select_n3A_61 = arith.select %lt3A_56, %broadcast_in_dim3A, %sub3A_59 : vector<128x1xi1>, vector<128x1xf32>
    %eq3A = vector.broadcast %select_n3A_61 : vector<128x1xf32> to vector<128x136xf32>
    %eq3A_62 = vector.broadcast %convert_element_type3A_13 : vector<1x136xf32> to vector<128x136xf32>
    %eq3A_63 = arith.cmpf oeq, %eq3A, %eq3A_62 : vector<128x136xf32>
    %convert_element_type3A_64 = arith.extui %eq3A_63 : vector<128x136xi1> to vector<128x136xi32>
    %convert_element_type3A_65 = arith.sitofp %convert_element_type3A_64 : vector<128x136xi32> to vector<128x136xf32>
    %dot_general3A_66 = arith.constant dense<0.000000e+00> : vector<128x768xf32>
    %dot_general3A_67 = tpu.matmul %convert_element_type3A_65, %get3A_49, %dot_general3A_66 {dimension_numbers = #tpu.dot_dimension_numbers<[1], [0], [0], [1], [0, 0, 1, 1], [], []>, transpose_lhs_hint = false} : vector<128x136xf32>, vector<136x768xf32>, vector<128x768xf32> -> vector<128x768xf32>
    %slice3A_68 = vector.extract_strided_slice %dot_general3A_6 {offsets = [0, 0], sizes = [128, 768], strides = [1, 1]} : vector<512x768xf32> to vector<128x768xf32>
    %mul3A_69 = vector.broadcast %convert_element_type3A_53 : vector<128x1xf32> to vector<128x768xf32>
    %mul3A_70 = vector.broadcast %get3A_12 : vector<1x768xf32> to vector<128x768xf32>
    %mul3A_71 = arith.mulf %mul3A_69, %mul3A_70 : vector<128x768xf32>
    %add3A_72 = vector.broadcast %get3A_22 : vector<1x768xf32> to vector<128x768xf32>
    %add3A_73 = arith.addf %mul3A_71, %add3A_72 : vector<128x768xf32>
    %add3A_74 = arith.addf %dot_general3A_67, %add3A_73 : vector<128x768xf32>
    %add3A_75 = arith.addf %slice3A_68, %add3A_74 : vector<128x768xf32>
    %reduce_sum3A = arith.constant dense<0.000000e+00> : vector<128xf32>
    %reduce_sum3A_76 = vector.multi_reduction <add>, %add3A_75, %reduce_sum3A [1] : vector<128x768xf32> to vector<128xf32>
    %broadcast_in_dim3A_77 = vector.shape_cast %reduce_sum3A_76 : vector<128xf32> to vector<128x1xf32>
    %mul3A_78 = arith.mulf %add3A_75, %add3A_75 : vector<128x768xf32>
    %reduce_sum3A_79 = arith.constant dense<0.000000e+00> : vector<128xf32>
    %reduce_sum3A_80 = vector.multi_reduction <add>, %mul3A_78, %reduce_sum3A_79 [1] : vector<128x768xf32> to vector<128xf32>
    %broadcast_in_dim3A_81 = vector.shape_cast %reduce_sum3A_80 : vector<128xf32> to vector<128x1xf32>
    %mul3A_82 = arith.constant 0.00130208337 : f32
    %mul3A_83 = vector.broadcast %mul3A_82 : f32 to vector<128x1xf32>
    %mul3A_84 = arith.mulf %broadcast_in_dim3A_77, %mul3A_83 : vector<128x1xf32>
    %mul3A_85 = arith.constant 0.00130208337 : f32
    %mul3A_86 = vector.broadcast %mul3A_85 : f32 to vector<128x1xf32>
    %mul3A_87 = arith.mulf %broadcast_in_dim3A_81, %mul3A_86 : vector<128x1xf32>
    %mul3A_88 = arith.mulf %mul3A_84, %mul3A_84 : vector<128x1xf32>
    %sub3A_89 = arith.subf %mul3A_87, %mul3A_88 : vector<128x1xf32>
    %max3A = arith.constant 0.000000e+00 : f32
    %max3A_90 = vector.broadcast %max3A : f32 to vector<128x1xf32>
    %max3A_91 = arith.maximumf %sub3A_89, %max3A_90 : vector<128x1xf32>
    %add3A_92 = arith.constant 9.99999996E-13 : f32
    %add3A_93 = vector.broadcast %add3A_92 : f32 to vector<128x1xf32>
    %add3A_94 = arith.addf %max3A_91, %add3A_93 : vector<128x1xf32>
    %rsqrt3A = math.rsqrt %add3A_94 : vector<128x1xf32>
    %mul3A_95 = vector.broadcast %rsqrt3A : vector<128x1xf32> to vector<128x768xf32>
    %mul3A_96 = vector.broadcast %get3A_16 : vector<1x768xf32> to vector<128x768xf32>
    %mul3A_97 = arith.mulf %mul3A_95, %mul3A_96 : vector<128x768xf32>
    %mul3A_98 = arith.mulf %add3A_75, %mul3A_97 : vector<128x768xf32>
    %mul3A_99 = vector.broadcast %mul3A_84 : vector<128x1xf32> to vector<128x768xf32>
    %mul3A_100 = arith.mulf %mul3A_99, %mul3A_97 : vector<128x768xf32>
    %sub3A_101 = arith.subf %mul3A_98, %mul3A_100 : vector<128x768xf32>
    %add3A_102 = vector.broadcast %get3A_19 : vector<1x768xf32> to vector<128x768xf32>
    %add3A_103 = arith.addf %sub3A_101, %add3A_102 : vector<128x768xf32>
    %swap3A = arith.constant 0 : index
    %swap3A_104 = arith.constant 0 : index
    %swap3A_105 = vector.load %arg9[%swap3A, %swap3A_104] : memref<512x768xf32, #tpu.memory_space<vmem>>, vector<128x768xf32>
    tpu.vector_store %arg9[%swap3A, %swap3A_104], %add3A_103 {strides = array<i32>} : memref<512x768xf32, #tpu.memory_space<vmem>>, vector<128x768xf32>,
    %mul3A_106 = arith.constant 4 : i32
    %mul3A_107 = arith.muli %mul3A_106, %arg0 : i32
    %add3A_108 = arith.constant 1 : i32
    %add3A_109 = arith.addi %mul3A_107, %add3A_108 : i32
    %get3A_110 = arith.index_cast %add3A_109 : i32 to index
    %get3A_111 = memref.load %arg1[%get3A_110] : memref<64xi32, #tpu.memory_space<smem>>
    %add3A_112 = arith.constant 2 : i32
    %add3A_113 = arith.addi %get3A_111, %add3A_112 : i32
    %jit3A_114 = arith.constant 8 : i32
    %div3A_115 = arith.divsi %add3A_113, %jit3A_114 : i32
    %sign3A_116 = arith.constant 0 : i32
    %sign3A_117 = arith.cmpi sgt, %add3A_113, %sign3A_116 : i32
    %sign3A_118 = arith.extui %sign3A_117 : i1 to i32
    %sign3A_119 = arith.constant 0 : i32
    %sign3A_120 = arith.cmpi slt, %add3A_113, %sign3A_119 : i32
    %sign3A_121 = arith.extui %sign3A_120 : i1 to i32
    %sign3A_122 = arith.subi %sign3A_118, %sign3A_121 : i32
    %sign3A_123 = arith.constant 0 : i32
    %sign3A_124 = arith.cmpi sgt, %jit3A_114, %sign3A_123 : i32
    %sign3A_125 = arith.extui %sign3A_124 : i1 to i32
    %sign3A_126 = arith.constant 0 : i32
    %sign3A_127 = arith.cmpi slt, %jit3A_114, %sign3A_126 : i32
    %sign3A_128 = arith.extui %sign3A_127 : i1 to i32
    %sign3A_129 = arith.subi %sign3A_125, %sign3A_128 : i32
    %ne3A_130 = arith.cmpi ne, %sign3A_122, %sign3A_129 : i32
    %rem3A_131 = arith.remsi %add3A_113, %jit3A_114 : i32
    %ne3A_132 = arith.constant 0 : i32
    %ne3A_133 = arith.cmpi ne, %rem3A_131, %ne3A_132 : i32
    %and3A_134 = arith.andi %ne3A_130, %ne3A_133 : i1
    %sub3A_135 = arith.constant 1 : i32
    %sub3A_136 = arith.subi %div3A_115, %sub3A_135 : i32
    %select_n3A_137 = arith.select %and3A_134, %sub3A_136, %div3A_115 : i32
    %mul3A_138 = arith.constant 8 : i32
    %mul3A_139 = arith.muli %select_n3A_137, %mul3A_138 : i32
    %multiple_of3A_140 = tpu.assume_multiple %mul3A_139, 8 : i32
    %get3A_141 = arith.index_cast %multiple_of3A_140 : i32 to index
    %get3A_142 = arith.constant 0 : index
    %get3A_143 = vector.load %arg5[%get3A_141, %get3A_142] : memref<2056x768xf32, #tpu.memory_space<vmem>>, vector<136x768xf32>
    %slice3A_144 = vector.extract_strided_slice %get3A_9 {offsets = [128, 0], sizes = [128, 1], strides = [1, 1]} : vector<512x1xf32> to vector<128x1xf32>
    %lt3A_145 = arith.constant 1.500000e+00 : f32
    %lt3A_146 = vector.broadcast %lt3A_145 : f32 to vector<128x1xf32>
    %lt3A_147 = arith.cmpf olt, %slice3A_144, %lt3A_146 : vector<128x1xf32>
    %convert_element_type3A_148 = arith.extui %lt3A_147 : vector<128x1xi1> to vector<128x1xi32>
    %convert_element_type3A_149 = arith.sitofp %convert_element_type3A_148 : vector<128x1xi32> to vector<128x1xf32>
    %lt3A_150 = arith.constant 1.500000e+00 : f32
    %lt3A_151 = vector.broadcast %lt3A_150 : f32 to vector<128x1xf32>
    %lt3A_152 = arith.cmpf olt, %slice3A_144, %lt3A_151 : vector<128x1xf32>
    %convert_element_type3A_153 = arith.sitofp %multiple_of3A_140 : i32 to f32
    %sub3A_154 = vector.broadcast %convert_element_type3A_153 : f32 to vector<128x1xf32>
    %sub3A_155 = arith.subf %slice3A_144, %sub3A_154 : vector<128x1xf32>
    %jit3A_156 = arith.constant -1.000000e+00 : f32
    %broadcast_in_dim3A_157 = vector.broadcast %jit3A_156 : f32 to vector<128x1xf32>
    %select_n3A_158 = arith.select %lt3A_152, %broadcast_in_dim3A_157, %sub3A_155 : vector<128x1xi1>, vector<128x1xf32>
    %eq3A_159 = vector.broadcast %select_n3A_158 : vector<128x1xf32> to vector<128x136xf32>
    %eq3A_160 = vector.broadcast %convert_element_type3A_13 : vector<1x136xf32> to vector<128x136xf32>
    %eq3A_161 = arith.cmpf oeq, %eq3A_159, %eq3A_160 : vector<128x136xf32>
    %convert_element_type3A_162 = arith.extui %eq3A_161 : vector<128x136xi1> to vector<128x136xi32>
    %convert_element_type3A_163 = arith.sitofp %convert_element_type3A_162 : vector<128x136xi32> to vector<128x136xf32>
    %dot_general3A_164 = arith.constant dense<0.000000e+00> : vector<128x768xf32>
    %dot_general3A_165 = tpu.matmul %convert_element_type3A_163, %get3A_143, %dot_general3A_164 {dimension_numbers = #tpu.dot_dimension_numbers<[1], [0], [0], [1], [0, 0, 1, 1], [], []>, transpose_lhs_hint = false} : vector<128x136xf32>, vector<136x768xf32>, vector<128x768xf32> -> vector<128x768xf32>
    %slice3A_166 = vector.extract_strided_slice %dot_general3A_6 {offsets = [128, 0], sizes = [128, 768], strides = [1, 1]} : vector<512x768xf32> to vector<128x768xf32>
    %mul3A_167 = vector.broadcast %convert_element_type3A_149 : vector<128x1xf32> to vector<128x768xf32>
    %mul3A_168 = vector.broadcast %get3A_12 : vector<1x768xf32> to vector<128x768xf32>
    %mul3A_169 = arith.mulf %mul3A_167, %mul3A_168 : vector<128x768xf32>
    %add3A_170 = vector.broadcast %get3A_22 : vector<1x768xf32> to vector<128x768xf32>
    %add3A_171 = arith.addf %mul3A_169, %add3A_170 : vector<128x768xf32>
    %add3A_172 = arith.addf %dot_general3A_165, %add3A_171 : vector<128x768xf32>
    %add3A_173 = arith.addf %slice3A_166, %add3A_172 : vector<128x768xf32>
    %reduce_sum3A_174 = arith.constant dense<0.000000e+00> : vector<128xf32>
    %reduce_sum3A_175 = vector.multi_reduction <add>, %add3A_173, %reduce_sum3A_174 [1] : vector<128x768xf32> to vector<128xf32>
    %broadcast_in_dim3A_176 = vector.shape_cast %reduce_sum3A_175 : vector<128xf32> to vector<128x1xf32>
    %mul3A_177 = arith.mulf %add3A_173, %add3A_173 : vector<128x768xf32>
    %reduce_sum3A_178 = arith.constant dense<0.000000e+00> : vector<128xf32>
    %reduce_sum3A_179 = vector.multi_reduction <add>, %mul3A_177, %reduce_sum3A_178 [1] : vector<128x768xf32> to vector<128xf32>
    %broadcast_in_dim3A_180 = vector.shape_cast %reduce_sum3A_179 : vector<128xf32> to vector<128x1xf32>
    %mul3A_181 = arith.constant 0.00130208337 : f32
    %mul3A_182 = vector.broadcast %mul3A_181 : f32 to vector<128x1xf32>
    %mul3A_183 = arith.mulf %broadcast_in_dim3A_176, %mul3A_182 : vector<128x1xf32>
    %mul3A_184 = arith.constant 0.00130208337 : f32
    %mul3A_185 = vector.broadcast %mul3A_184 : f32 to vector<128x1xf32>
    %mul3A_186 = arith.mulf %broadcast_in_dim3A_180, %mul3A_185 : vector<128x1xf32>
    %mul3A_187 = arith.mulf %mul3A_183, %mul3A_183 : vector<128x1xf32>
    %sub3A_188 = arith.subf %mul3A_186, %mul3A_187 : vector<128x1xf32>
    %max3A_189 = arith.constant 0.000000e+00 : f32
    %max3A_190 = vector.broadcast %max3A_189 : f32 to vector<128x1xf32>
    %max3A_191 = arith.maximumf %sub3A_188, %max3A_190 : vector<128x1xf32>
    %add3A_192 = arith.constant 9.99999996E-13 : f32
    %add3A_193 = vector.broadcast %add3A_192 : f32 to vector<128x1xf32>
    %add3A_194 = arith.addf %max3A_191, %add3A_193 : vector<128x1xf32>
    %rsqrt3A_195 = math.rsqrt %add3A_194 : vector<128x1xf32>
    %mul3A_196 = vector.broadcast %rsqrt3A_195 : vector<128x1xf32> to vector<128x768xf32>
    %mul3A_197 = vector.broadcast %get3A_16 : vector<1x768xf32> to vector<128x768xf32>
    %mul3A_198 = arith.mulf %mul3A_196, %mul3A_197 : vector<128x768xf32>
    %mul3A_199 = arith.mulf %add3A_173, %mul3A_198 : vector<128x768xf32>
    %mul3A_200 = vector.broadcast %mul3A_183 : vector<128x1xf32> to vector<128x768xf32>
    %mul3A_201 = arith.mulf %mul3A_200, %mul3A_198 : vector<128x768xf32>
    %sub3A_202 = arith.subf %mul3A_199, %mul3A_201 : vector<128x768xf32>
    %add3A_203 = vector.broadcast %get3A_19 : vector<1x768xf32> to vector<128x768xf32>
    %add3A_204 = arith.addf %sub3A_202, %add3A_203 : vector<128x768xf32>
    %swap3A_205 = arith.constant 128 : index
    %swap3A_206 = arith.constant 0 : index
    %swap3A_207 = vector.load %arg9[%swap3A_205, %swap3A_206] : memref<512x768xf32, #tpu.memory_space<vmem>>, vector<128x768xf32>
    tpu.vector_store %arg9[%swap3A_205, %swap3A_206], %add3A_204 {strides = array<i32>} : memref<512x768xf32, #tpu.memory_space<vmem>>, vector<128x768xf32>,
    %mul3A_208 = arith.constant 4 : i32
    %mul3A_209 = arith.muli %mul3A_208, %arg0 : i32
    %add3A_210 = arith.constant 2 : i32
    %add3A_211 = arith.addi %mul3A_209, %add3A_210 : i32
    %get3A_212 = arith.index_cast %add3A_211 : i32 to index
    %get3A_213 = memref.load %arg1[%get3A_212] : memref<64xi32, #tpu.memory_space<smem>>
    %add3A_214 = arith.constant 2 : i32
    %add3A_215 = arith.addi %get3A_213, %add3A_214 : i32
    %jit3A_216 = arith.constant 8 : i32
    %div3A_217 = arith.divsi %add3A_215, %jit3A_216 : i32
    %sign3A_218 = arith.constant 0 : i32
    %sign3A_219 = arith.cmpi sgt, %add3A_215, %sign3A_218 : i32
    %sign3A_220 = arith.extui %sign3A_219 : i1 to i32
    %sign3A_221 = arith.constant 0 : i32
    %sign3A_222 = arith.cmpi slt, %add3A_215, %sign3A_221 : i32
    %sign3A_223 = arith.extui %sign3A_222 : i1 to i32
    %sign3A_224 = arith.subi %sign3A_220, %sign3A_223 : i32
    %sign3A_225 = arith.constant 0 : i32
    %sign3A_226 = arith.cmpi sgt, %jit3A_216, %sign3A_225 : i32
    %sign3A_227 = arith.extui %sign3A_226 : i1 to i32
    %sign3A_228 = arith.constant 0 : i32
    %sign3A_229 = arith.cmpi slt, %jit3A_216, %sign3A_228 : i32
    %sign3A_230 = arith.extui %sign3A_229 : i1 to i32
    %sign3A_231 = arith.subi %sign3A_227, %sign3A_230 : i32
    %ne3A_232 = arith.cmpi ne, %sign3A_224, %sign3A_231 : i32
    %rem3A_233 = arith.remsi %add3A_215, %jit3A_216 : i32
    %ne3A_234 = arith.constant 0 : i32
    %ne3A_235 = arith.cmpi ne, %rem3A_233, %ne3A_234 : i32
    %and3A_236 = arith.andi %ne3A_232, %ne3A_235 : i1
    %sub3A_237 = arith.constant 1 : i32
    %sub3A_238 = arith.subi %div3A_217, %sub3A_237 : i32
    %select_n3A_239 = arith.select %and3A_236, %sub3A_238, %div3A_217 : i32
    %mul3A_240 = arith.constant 8 : i32
    %mul3A_241 = arith.muli %select_n3A_239, %mul3A_240 : i32
    %multiple_of3A_242 = tpu.assume_multiple %mul3A_241, 8 : i32
    %get3A_243 = arith.index_cast %multiple_of3A_242 : i32 to index
    %get3A_244 = arith.constant 0 : index
    %get3A_245 = vector.load %arg5[%get3A_243, %get3A_244] : memref<2056x768xf32, #tpu.memory_space<vmem>>, vector<136x768xf32>
    %slice3A_246 = vector.extract_strided_slice %get3A_9 {offsets = [256, 0], sizes = [128, 1], strides = [1, 1]} : vector<512x1xf32> to vector<128x1xf32>
    %lt3A_247 = arith.constant 1.500000e+00 : f32
    %lt3A_248 = vector.broadcast %lt3A_247 : f32 to vector<128x1xf32>
    %lt3A_249 = arith.cmpf olt, %slice3A_246, %lt3A_248 : vector<128x1xf32>
    %convert_element_type3A_250 = arith.extui %lt3A_249 : vector<128x1xi1> to vector<128x1xi32>
    %convert_element_type3A_251 = arith.sitofp %convert_element_type3A_250 : vector<128x1xi32> to vector<128x1xf32>
    %lt3A_252 = arith.constant 1.500000e+00 : f32
    %lt3A_253 = vector.broadcast %lt3A_252 : f32 to vector<128x1xf32>
    %lt3A_254 = arith.cmpf olt, %slice3A_246, %lt3A_253 : vector<128x1xf32>
    %convert_element_type3A_255 = arith.sitofp %multiple_of3A_242 : i32 to f32
    %sub3A_256 = vector.broadcast %convert_element_type3A_255 : f32 to vector<128x1xf32>
    %sub3A_257 = arith.subf %slice3A_246, %sub3A_256 : vector<128x1xf32>
    %jit3A_258 = arith.constant -1.000000e+00 : f32
    %broadcast_in_dim3A_259 = vector.broadcast %jit3A_258 : f32 to vector<128x1xf32>
    %select_n3A_260 = arith.select %lt3A_254, %broadcast_in_dim3A_259, %sub3A_257 : vector<128x1xi1>, vector<128x1xf32>
    %eq3A_261 = vector.broadcast %select_n3A_260 : vector<128x1xf32> to vector<128x136xf32>
    %eq3A_262 = vector.broadcast %convert_element_type3A_13 : vector<1x136xf32> to vector<128x136xf32>
    %eq3A_263 = arith.cmpf oeq, %eq3A_261, %eq3A_262 : vector<128x136xf32>
    %convert_element_type3A_264 = arith.extui %eq3A_263 : vector<128x136xi1> to vector<128x136xi32>
    %convert_element_type3A_265 = arith.sitofp %convert_element_type3A_264 : vector<128x136xi32> to vector<128x136xf32>
    %dot_general3A_266 = arith.constant dense<0.000000e+00> : vector<128x768xf32>
    %dot_general3A_267 = tpu.matmul %convert_element_type3A_265, %get3A_245, %dot_general3A_266 {dimension_numbers = #tpu.dot_dimension_numbers<[1], [0], [0], [1], [0, 0, 1, 1], [], []>, transpose_lhs_hint = false} : vector<128x136xf32>, vector<136x768xf32>, vector<128x768xf32> -> vector<128x768xf32>
    %slice3A_268 = vector.extract_strided_slice %dot_general3A_6 {offsets = [256, 0], sizes = [128, 768], strides = [1, 1]} : vector<512x768xf32> to vector<128x768xf32>
    %mul3A_269 = vector.broadcast %convert_element_type3A_251 : vector<128x1xf32> to vector<128x768xf32>
    %mul3A_270 = vector.broadcast %get3A_12 : vector<1x768xf32> to vector<128x768xf32>
    %mul3A_271 = arith.mulf %mul3A_269, %mul3A_270 : vector<128x768xf32>
    %add3A_272 = vector.broadcast %get3A_22 : vector<1x768xf32> to vector<128x768xf32>
    %add3A_273 = arith.addf %mul3A_271, %add3A_272 : vector<128x768xf32>
    %add3A_274 = arith.addf %dot_general3A_267, %add3A_273 : vector<128x768xf32>
    %add3A_275 = arith.addf %slice3A_268, %add3A_274 : vector<128x768xf32>
    %reduce_sum3A_276 = arith.constant dense<0.000000e+00> : vector<128xf32>
    %reduce_sum3A_277 = vector.multi_reduction <add>, %add3A_275, %reduce_sum3A_276 [1] : vector<128x768xf32> to vector<128xf32>
    %broadcast_in_dim3A_278 = vector.shape_cast %reduce_sum3A_277 : vector<128xf32> to vector<128x1xf32>
    %mul3A_279 = arith.mulf %add3A_275, %add3A_275 : vector<128x768xf32>
    %reduce_sum3A_280 = arith.constant dense<0.000000e+00> : vector<128xf32>
    %reduce_sum3A_281 = vector.multi_reduction <add>, %mul3A_279, %reduce_sum3A_280 [1] : vector<128x768xf32> to vector<128xf32>
    %broadcast_in_dim3A_282 = vector.shape_cast %reduce_sum3A_281 : vector<128xf32> to vector<128x1xf32>
    %mul3A_283 = arith.constant 0.00130208337 : f32
    %mul3A_284 = vector.broadcast %mul3A_283 : f32 to vector<128x1xf32>
    %mul3A_285 = arith.mulf %broadcast_in_dim3A_278, %mul3A_284 : vector<128x1xf32>
    %mul3A_286 = arith.constant 0.00130208337 : f32
    %mul3A_287 = vector.broadcast %mul3A_286 : f32 to vector<128x1xf32>
    %mul3A_288 = arith.mulf %broadcast_in_dim3A_282, %mul3A_287 : vector<128x1xf32>
    %mul3A_289 = arith.mulf %mul3A_285, %mul3A_285 : vector<128x1xf32>
    %sub3A_290 = arith.subf %mul3A_288, %mul3A_289 : vector<128x1xf32>
    %max3A_291 = arith.constant 0.000000e+00 : f32
    %max3A_292 = vector.broadcast %max3A_291 : f32 to vector<128x1xf32>
    %max3A_293 = arith.maximumf %sub3A_290, %max3A_292 : vector<128x1xf32>
    %add3A_294 = arith.constant 9.99999996E-13 : f32
    %add3A_295 = vector.broadcast %add3A_294 : f32 to vector<128x1xf32>
    %add3A_296 = arith.addf %max3A_293, %add3A_295 : vector<128x1xf32>
    %rsqrt3A_297 = math.rsqrt %add3A_296 : vector<128x1xf32>
    %mul3A_298 = vector.broadcast %rsqrt3A_297 : vector<128x1xf32> to vector<128x768xf32>
    %mul3A_299 = vector.broadcast %get3A_16 : vector<1x768xf32> to vector<128x768xf32>
    %mul3A_300 = arith.mulf %mul3A_298, %mul3A_299 : vector<128x768xf32>
    %mul3A_301 = arith.mulf %add3A_275, %mul3A_300 : vector<128x768xf32>
    %mul3A_302 = vector.broadcast %mul3A_285 : vector<128x1xf32> to vector<128x768xf32>
    %mul3A_303 = arith.mulf %mul3A_302, %mul3A_300 : vector<128x768xf32>
    %sub3A_304 = arith.subf %mul3A_301, %mul3A_303 : vector<128x768xf32>
    %add3A_305 = vector.broadcast %get3A_19 : vector<1x768xf32> to vector<128x768xf32>
    %add3A_306 = arith.addf %sub3A_304, %add3A_305 : vector<128x768xf32>
    %swap3A_307 = arith.constant 256 : index
    %swap3A_308 = arith.constant 0 : index
    %swap3A_309 = vector.load %arg9[%swap3A_307, %swap3A_308] : memref<512x768xf32, #tpu.memory_space<vmem>>, vector<128x768xf32>
    tpu.vector_store %arg9[%swap3A_307, %swap3A_308], %add3A_306 {strides = array<i32>} : memref<512x768xf32, #tpu.memory_space<vmem>>, vector<128x768xf32>,
    %mul3A_310 = arith.constant 4 : i32
    %mul3A_311 = arith.muli %mul3A_310, %arg0 : i32
    %add3A_312 = arith.constant 3 : i32
    %add3A_313 = arith.addi %mul3A_311, %add3A_312 : i32
    %get3A_314 = arith.index_cast %add3A_313 : i32 to index
    %get3A_315 = memref.load %arg1[%get3A_314] : memref<64xi32, #tpu.memory_space<smem>>
    %add3A_316 = arith.constant 2 : i32
    %add3A_317 = arith.addi %get3A_315, %add3A_316 : i32
    %jit3A_318 = arith.constant 8 : i32
    %div3A_319 = arith.divsi %add3A_317, %jit3A_318 : i32
    %sign3A_320 = arith.constant 0 : i32
    %sign3A_321 = arith.cmpi sgt, %add3A_317, %sign3A_320 : i32
    %sign3A_322 = arith.extui %sign3A_321 : i1 to i32
    %sign3A_323 = arith.constant 0 : i32
    %sign3A_324 = arith.cmpi slt, %add3A_317, %sign3A_323 : i32
    %sign3A_325 = arith.extui %sign3A_324 : i1 to i32
    %sign3A_326 = arith.subi %sign3A_322, %sign3A_325 : i32
    %sign3A_327 = arith.constant 0 : i32
    %sign3A_328 = arith.cmpi sgt, %jit3A_318, %sign3A_327 : i32
    %sign3A_329 = arith.extui %sign3A_328 : i1 to i32
    %sign3A_330 = arith.constant 0 : i32
    %sign3A_331 = arith.cmpi slt, %jit3A_318, %sign3A_330 : i32
    %sign3A_332 = arith.extui %sign3A_331 : i1 to i32
    %sign3A_333 = arith.subi %sign3A_329, %sign3A_332 : i32
    %ne3A_334 = arith.cmpi ne, %sign3A_326, %sign3A_333 : i32
    %rem3A_335 = arith.remsi %add3A_317, %jit3A_318 : i32
    %ne3A_336 = arith.constant 0 : i32
    %ne3A_337 = arith.cmpi ne, %rem3A_335, %ne3A_336 : i32
    %and3A_338 = arith.andi %ne3A_334, %ne3A_337 : i1
    %sub3A_339 = arith.constant 1 : i32
    %sub3A_340 = arith.subi %div3A_319, %sub3A_339 : i32
    %select_n3A_341 = arith.select %and3A_338, %sub3A_340, %div3A_319 : i32
    %mul3A_342 = arith.constant 8 : i32
    %mul3A_343 = arith.muli %select_n3A_341, %mul3A_342 : i32
    %multiple_of3A_344 = tpu.assume_multiple %mul3A_343, 8 : i32
    %get3A_345 = arith.index_cast %multiple_of3A_344 : i32 to index
    %get3A_346 = arith.constant 0 : index
    %get3A_347 = vector.load %arg5[%get3A_345, %get3A_346] : memref<2056x768xf32, #tpu.memory_space<vmem>>, vector<136x768xf32>
    %slice3A_348 = vector.extract_strided_slice %get3A_9 {offsets = [384, 0], sizes = [128, 1], strides = [1, 1]} : vector<512x1xf32> to vector<128x1xf32>
    %lt3A_349 = arith.constant 1.500000e+00 : f32
    %lt3A_350 = vector.broadcast %lt3A_349 : f32 to vector<128x1xf32>
    %lt3A_351 = arith.cmpf olt, %slice3A_348, %lt3A_350 : vector<128x1xf32>
    %convert_element_type3A_352 = arith.extui %lt3A_351 : vector<128x1xi1> to vector<128x1xi32>
    %convert_element_type3A_353 = arith.sitofp %convert_element_type3A_352 : vector<128x1xi32> to vector<128x1xf32>
    %lt3A_354 = arith.constant 1.500000e+00 : f32
    %lt3A_355 = vector.broadcast %lt3A_354 : f32 to vector<128x1xf32>
    %lt3A_356 = arith.cmpf olt, %slice3A_348, %lt3A_355 : vector<128x1xf32>
    %convert_element_type3A_357 = arith.sitofp %multiple_of3A_344 : i32 to f32
    %sub3A_358 = vector.broadcast %convert_element_type3A_357 : f32 to vector<128x1xf32>
    %sub3A_359 = arith.subf %slice3A_348, %sub3A_358 : vector<128x1xf32>
    %jit3A_360 = arith.constant -1.000000e+00 : f32
    %broadcast_in_dim3A_361 = vector.broadcast %jit3A_360 : f32 to vector<128x1xf32>
    %select_n3A_362 = arith.select %lt3A_356, %broadcast_in_dim3A_361, %sub3A_359 : vector<128x1xi1>, vector<128x1xf32>
    %eq3A_363 = vector.broadcast %select_n3A_362 : vector<128x1xf32> to vector<128x136xf32>
    %eq3A_364 = vector.broadcast %convert_element_type3A_13 : vector<1x136xf32> to vector<128x136xf32>
    %eq3A_365 = arith.cmpf oeq, %eq3A_363, %eq3A_364 : vector<128x136xf32>
    %convert_element_type3A_366 = arith.extui %eq3A_365 : vector<128x136xi1> to vector<128x136xi32>
    %convert_element_type3A_367 = arith.sitofp %convert_element_type3A_366 : vector<128x136xi32> to vector<128x136xf32>
    %dot_general3A_368 = arith.constant dense<0.000000e+00> : vector<128x768xf32>
    %dot_general3A_369 = tpu.matmul %convert_element_type3A_367, %get3A_347, %dot_general3A_368 {dimension_numbers = #tpu.dot_dimension_numbers<[1], [0], [0], [1], [0, 0, 1, 1], [], []>, transpose_lhs_hint = false} : vector<128x136xf32>, vector<136x768xf32>, vector<128x768xf32> -> vector<128x768xf32>
    %slice3A_370 = vector.extract_strided_slice %dot_general3A_6 {offsets = [384, 0], sizes = [128, 768], strides = [1, 1]} : vector<512x768xf32> to vector<128x768xf32>
    %mul3A_371 = vector.broadcast %convert_element_type3A_353 : vector<128x1xf32> to vector<128x768xf32>
    %mul3A_372 = vector.broadcast %get3A_12 : vector<1x768xf32> to vector<128x768xf32>
    %mul3A_373 = arith.mulf %mul3A_371, %mul3A_372 : vector<128x768xf32>
    %add3A_374 = vector.broadcast %get3A_22 : vector<1x768xf32> to vector<128x768xf32>
    %add3A_375 = arith.addf %mul3A_373, %add3A_374 : vector<128x768xf32>
    %add3A_376 = arith.addf %dot_general3A_369, %add3A_375 : vector<128x768xf32>
    %add3A_377 = arith.addf %slice3A_370, %add3A_376 : vector<128x768xf32>
    %reduce_sum3A_378 = arith.constant dense<0.000000e+00> : vector<128xf32>
    %reduce_sum3A_379 = vector.multi_reduction <add>, %add3A_377, %reduce_sum3A_378 [1] : vector<128x768xf32> to vector<128xf32>
    %broadcast_in_dim3A_380 = vector.shape_cast %reduce_sum3A_379 : vector<128xf32> to vector<128x1xf32>
    %mul3A_381 = arith.mulf %add3A_377, %add3A_377 : vector<128x768xf32>
    %reduce_sum3A_382 = arith.constant dense<0.000000e+00> : vector<128xf32>
    %reduce_sum3A_383 = vector.multi_reduction <add>, %mul3A_381, %reduce_sum3A_382 [1] : vector<128x768xf32> to vector<128xf32>
    %broadcast_in_dim3A_384 = vector.shape_cast %reduce_sum3A_383 : vector<128xf32> to vector<128x1xf32>
    %mul3A_385 = arith.constant 0.00130208337 : f32
    %mul3A_386 = vector.broadcast %mul3A_385 : f32 to vector<128x1xf32>
    %mul3A_387 = arith.mulf %broadcast_in_dim3A_380, %mul3A_386 : vector<128x1xf32>
    %mul3A_388 = arith.constant 0.00130208337 : f32
    %mul3A_389 = vector.broadcast %mul3A_388 : f32 to vector<128x1xf32>
    %mul3A_390 = arith.mulf %broadcast_in_dim3A_384, %mul3A_389 : vector<128x1xf32>
    %mul3A_391 = arith.mulf %mul3A_387, %mul3A_387 : vector<128x1xf32>
    %sub3A_392 = arith.subf %mul3A_390, %mul3A_391 : vector<128x1xf32>
    %max3A_393 = arith.constant 0.000000e+00 : f32
    %max3A_394 = vector.broadcast %max3A_393 : f32 to vector<128x1xf32>
    %max3A_395 = arith.maximumf %sub3A_392, %max3A_394 : vector<128x1xf32>
    %add3A_396 = arith.constant 9.99999996E-13 : f32
    %add3A_397 = vector.broadcast %add3A_396 : f32 to vector<128x1xf32>
    %add3A_398 = arith.addf %max3A_395, %add3A_397 : vector<128x1xf32>
    %rsqrt3A_399 = math.rsqrt %add3A_398 : vector<128x1xf32>
    %mul3A_400 = vector.broadcast %rsqrt3A_399 : vector<128x1xf32> to vector<128x768xf32>
    %mul3A_401 = vector.broadcast %get3A_16 : vector<1x768xf32> to vector<128x768xf32>
    %mul3A_402 = arith.mulf %mul3A_400, %mul3A_401 : vector<128x768xf32>
    %mul3A_403 = arith.mulf %add3A_377, %mul3A_402 : vector<128x768xf32>
    %mul3A_404 = vector.broadcast %mul3A_387 : vector<128x1xf32> to vector<128x768xf32>
    %mul3A_405 = arith.mulf %mul3A_404, %mul3A_402 : vector<128x768xf32>
    %sub3A_406 = arith.subf %mul3A_403, %mul3A_405 : vector<128x768xf32>
    %add3A_407 = vector.broadcast %get3A_19 : vector<1x768xf32> to vector<128x768xf32>
    %add3A_408 = arith.addf %sub3A_406, %add3A_407 : vector<128x768xf32>
    %swap3A_409 = arith.constant 384 : index
    %swap3A_410 = arith.constant 0 : index
    %swap3A_411 = vector.load %arg9[%swap3A_409, %swap3A_410] : memref<512x768xf32, #tpu.memory_space<vmem>>, vector<128x768xf32>
    tpu.vector_store %arg9[%swap3A_409, %swap3A_410], %add3A_408 {strides = array<i32>} : memref<512x768xf32, #tpu.memory_space<vmem>>, vector<128x768xf32>,
    return
  }
  func.func @transform_0(%arg0: i32) -> i32 {
    %c0_i32 = arith.constant 0 : i32
    %c0_i32_0 = arith.constant 0 : i32
    return %c0_i32 : i32
  }
  func.func @transform_1(%arg0: i32) -> (i32, i32) {
    %c0_i32 = arith.constant 0 : i32
    %c0_i32_0 = arith.constant 0 : i32
    return %arg0, %c0_i32 : i32, i32
  }
  func.func @transform_2(%arg0: i32) -> (i32, i32) {
    %c0_i32 = arith.constant 0 : i32
    %c0_i32_0 = arith.constant 0 : i32
    %c0_i32_1 = arith.constant 0 : i32
    return %c0_i32, %c0_i32_0 : i32, i32
  }
  func.func @transform_3(%arg0: i32) -> (i32, i32) {
    %c0_i32 = arith.constant 0 : i32
    %c0_i32_0 = arith.constant 0 : i32
    return %arg0, %c0_i32 : i32, i32
  }
  func.func @transform_4(%arg0: i32) -> (i32, i32) {
    %c0_i32 = arith.constant 0 : i32
    %c0_i32_0 = arith.constant 0 : i32
    %c0_i32_1 = arith.constant 0 : i32
    return %c0_i32, %c0_i32_0 : i32, i32
  }
  func.func @transform_5(%arg0: i32) -> (i32, i32) {
    %c0_i32 = arith.constant 0 : i32
    %c0_i32_0 = arith.constant 0 : i32
    %c0_i32_1 = arith.constant 0 : i32
    return %c0_i32, %c0_i32_0 : i32, i32
  }
  func.func @transform_6(%arg0: i32) -> (i32, i32) {
    %c0_i32 = arith.constant 0 : i32
    %c0_i32_0 = arith.constant 0 : i32
    %c0_i32_1 = arith.constant 0 : i32
    return %c0_i32, %c0_i32_0 : i32, i32
  }
  func.func @transform_7(%arg0: i32) -> (i32, i32) {
    %c0_i32 = arith.constant 0 : i32
    %c0_i32_0 = arith.constant 0 : i32
    %c0_i32_1 = arith.constant 0 : i32
    return %c0_i32, %c0_i32_0 : i32, i32
  }
  func.func @transform_8(%arg0: i32) -> (i32, i32) {
    %c0_i32 = arith.constant 0 : i32
    %c0_i32_0 = arith.constant 0 : i32
    return %arg0, %c0_i32 : i32, i32
  }
}

</mosaic_0001>

<sc_bundles>
// kernel: kernel.5.cloned.1.call-start
scs
__scs_entry_jumppad:
0x0: {  	(pc) =	sbr.rel $0x88, $3  }
0x1: {  	(tag) =	ssettag $0x0;
	lr =	simm.s32 $0x1  }
0x2: {  	[smem:$0x3F9A] =	sst lr;
	_ =	strace $0xD0000000  }
0x3: {  	_ = 	snop  }
0x4: {  	_ = 	snop  }
0x5: {  	_ = 	snop  }
0x6: {  	_ = 	snop  }
0x7: {  	_ = 	snop  }
__scs_overlays_trampoline_lowered:
0x8: {  	[smem:$0x3FA9] =	sst s0  }
0x9: {  	[smem:$0x3FAA] =	sst s1  }
0xa: {  	[smem:$0x3FAB] =	sst s2  }
0xb: {  	[smem:$0x3FAC] =	sst s3  }
0xc: {  	[smem:$0x3FAD] =	sst s4  }
0xd: {  	[smem:$0x3FAE] =	sst s5  }
0xe: {  	[smem:$0x3FAF] =	sst s6  }
0xf: {  	[smem:$0x3FB0] =	sst s7  }
0x10: {  	[smem:$0x3FB1] =	sst s8  }
0x11: {  	[smem:$0x3FB2] =	sst s9;
	s0 =	simm.s32 @!p0 $0x0  }
0x12: {  	s1 =	sld [smem:$0x3F98];
	s0 =	simm.s32 @p0 $0x1  }
0x13: {  	[smem:$0x3FB3] =	sst s0;
	s0 =	simm.s32 @!p1 $0x0  }
0x14: {  	s2 =	sld [smem:$0x3F97];
	s0 =	simm.s32 @p1 $0x1  }
0x15: {  	[smem:$0x3FB4] =	sst s0;
	s0 =	simm.s32 @!p2 $0x0  }
0x16: {  	s3 =	sld [smem:$0x3FDB];
	s0 =	simm.s32 @p2 $0x1  }
0x17: {  	s4 =	simm.s32 $0x1BF5;
	[smem:$0x3FB6] =	sst s0  }
0x18: {  	s0 =	sld [smem:$0x3F99];
	_ =	swait.ge [sflag:s4], $0x0  }
0x19: {  	s7 =	sld [smem:$0x3F9A]  }
0x1a: {  	s8 =	sadd.s32 $0xFFFFE003, lr  }
0x1b: {  	s9 =	sadd.s32 $0xFFFFFEF7, lr;
	s5 =	simm.s32 $0xFFFFFFFF;
	p2 =	slt.u32 s8, $0xFFFFF086  }
0x1c: {  	p1 =	slt.u32 s9, $0xF7A;
	s5 =	simm.s32 @!p2 $0x0  }
0x1d: {  	s5 =	simm.s32 @p1 $0x1;
	p0 =	seq.s32 s7, s2  }
0x1e: {  	s7 =	smul.u32 @!p0 $0xF7A, s2;
	p2 =	seq.s32 @!p0 s5, $0x0  }
0x1f: {  	s9 =	smul.u32 $0xF7A, s1;
	s8 =	simm.s32 @!p0 $0x1BF5;
	p2 =	por !p2, p0  }
0x20: {  	[sflag:s8] =	ssyncset.s32 @!p0 $0xFFFFF086;
	s6 =	sadd.s32 @!p0 s3, s7;
	s7 =	simm.s32 @!p0 $0x108  }
0x21: {  	s3 =	sadd.s32 s3, s9;
	s6 =	sadd.s32 @!p0 $0x88, s6;
	s7 =	simm.s32 @p2 $0x1082  }
0x22: {  	[simem:s7], [sflag:s8] =	dma.local @!p0 [hbm:s6], $0xF7A  }
0x23: {  	s9 =	sor.u32 $0xD0000000, s2;
	s6 =	simm.s32 $0x108;
	_ =	swait.ge @!p0 [sflag:s8], $0x0  }
0x24: {  	s3 =	sadd.s32 $0x88, s3;
	s6 =	simm.s32 @!p1 $0x1082;
	[sflag:s4] =	ssyncset.s32 $0xFFFFF086  }
0x25: {  	[simem:s6], [sflag:s4] =	dma.local [hbm:s3], $0xF7A  }
0x26: {  	[smem:$0x3F9A] =	sst s1;
	(tag) =	ssettag s2;
	_ =	strace s9  }
0x27: {  	s1 =	sld [smem:$0x3FAA]  }
0x28: {  	s2 =	sld [smem:$0x3FAB]  }
0x29: {  	s4 =	sld [smem:$0x3FAD]  }
0x2a: {  	p0 =	seq.s32 s5, $0x0;
	s5 =	sld [smem:$0x3FAE]  }
0x2b: {  	s6 =	sld [smem:$0x3FAF]  }
0x2c: {  	s7 =	sld [smem:$0x3FB0]  }
0x2d: {  	s3 =	simm.s32 $0x108;
	s8 =	sld [smem:$0x3FB1]  }
0x2e: {  	s3 =	simm.s32 @!p0 $0x1082;
	s9 =	sld [smem:$0x3FB2]  }
0x2f: {  	lr =	sadd.s32 s0, s3;
	s0 =	sld [smem:$0x3FA9]  }
0x30: {  	s3 =	sld [smem:$0x3FAC]  }
0x31: {  	[smem:$0x3FB5] =	sst s10  }
0x32: {  	s10 =	sld [smem:$0x3FB3];
	_ =	sdelay $0x3  }
0x33: {  	p0 =	seq.s32 s10, $0x1;
	s10 =	sld [smem:$0x3FB5];
	_ =	sdelay $0x3  }
0x34: {  	[smem:$0x3FB5] =	sst s10  }
0x35: {  	s10 =	sld [smem:$0x3FB4];
	_ =	sdelay $0x3  }
0x36: {  	p1 =	seq.s32 s10, $0x1;
	s10 =	sld [smem:$0x3FB5];
	_ =	sdelay $0x3  }
0x37: {  	[smem:$0x3FB5] =	sst s10  }
0x38: {  	s10 =	sld [smem:$0x3FB6]  }
0x39: {  	_ = 	snop;
	(pc) =	sbr.ind lr, $3  }
0x3a: {  	_ = 	snop  }
0x3b: {  	_ = 	snop  }
0x3c: {  	p2 =	seq.s32 s10, $0x1;
	s10 =	sld [smem:$0x3FB5]  }
0x3d: {  	_ =	shalt  }
0x3e: {  	_ =	shalt  }
0x3f: {  	_ =	shalt  }
0x40: {  	_ =	shalt  }
0x41: {  	_ =	shalt  }
0x42: {  	_ =	shalt  }
0x43: {  	_ =	shalt  }
0x44: {  	_ =	shalt  }
0x45: {  	_ =	shalt  }
0x46: {  	_ =	shalt  }
0x47: {  	_ =	shalt  }
0x48: {  	_ =	shalt  }
0x49: {  	_ =	shalt  }
0x4a: {  	_ =	shalt  }
0x4b: {  	_ =	shalt  }
0x4c: {  	_ =	shalt  }
0x4d: {  	_ =	shalt  }
0x4e: {  	_ =	shalt  }
0x4f: {  	_ =	shalt  }
0x50: {  	_ =	shalt  }
0x51: {  	_ =	shalt  }
0x52: {  	_ =	shalt  }
0x53: {  	_ =	shalt  }
0x54: {  	_ =	shalt  }
0x55: {  	_ =	shalt  }
0x56: {  	_ =	shalt  }
0x57: {  	_ =	shalt  }
0x58: {  	_ =	shalt  }
0x59: {  	_ =	shalt  }
0x5a: {  	_ =	shalt  }
0x5b: {  	_ =	shalt  }
0x5c: {  	_ =	shalt  }
0x5d: {  	_ =	shalt  }
0x5e: {  	_ =	shalt  }
0x5f: {  	_ =	shalt  }
0x60: {  	_ =	shalt  }
0x61: {  	_ =	shalt  }
0x62: {  	_ =	shalt  }
0x63: {  	_ =	shalt  }
0x64: {  	_ =	shalt  }
0x65: {  	_ =	shalt  }
0x66: {  	_ =	shalt  }
0x67: {  	_ =	shalt  }
0x68: {  	_ =	shalt  }
0x69: {  	_ =	shalt  }
0x6a: {  	_ =	shalt  }
0x6b: {  	_ =	shalt  }
0x6c: {  	_ =	shalt  }
0x6d: {  	_ =	shalt  }
0x6e: {  	_ =	shalt  }
0x6f: {  	_ =	shalt  }
0x70: {  	_ =	shalt  }
0x71: {  	_ =	shalt  }
0x72: {  	_ =	shalt  }
0x73: {  	_ =	shalt  }
0x74: {  	_ =	shalt  }
0x75: {  	_ =	shalt  }
0x76: {  	_ =	shalt  }
0x77: {  	_ =	shalt  }
0x78: {  	_ =	shalt  }
0x79: {  	_ =	shalt  }
0x7a: {  	_ =	shalt  }
0x7b: {  	_ =	shalt  }
0x7c: {  	_ =	shalt  }
0x7d: {  	_ =	shalt  }
0x7e: {  	_ =	shalt  }
0x7f: {  	_ =	shalt  }
0x80: {  	_ =	shalt  }
0x81: {  	_ =	shalt  }
0x82: {  	_ =	shalt  }
0x83: {  	_ =	shalt  }
0x84: {  	_ =	shalt  }
0x85: {  	_ =	shalt  }
0x86: {  	_ =	shalt  }
0x87: {  	_ =	shalt  }
.Lfunc_end0:
.L_simem_size_0:
called_computation_lowered:
.L_overlay_start_0:
0x88: {  	s2 =	sld [smem:$0x3FD9]  }
0x89: {  	s3 =	sld [smem:$0x3FFE];
	_ =	sdelay $0x1  }
0x8a: {  	s1 =	srdreg.scid  }
0x8b: {  	s0 =	sand.u32 $0x1, s1  }
0x8c: {  	s17 =	sshll.u32 s0, $0xA;
	s2 =	sadd.s32 s3, s2  }
0x8d: {  	s2 =	sadd.s32 s2, s17  }
0x8e: {  	[smem:$0x3FC1] =	sst s2  }
0x8f: {  	_ = 	snop  }
0x90: {  	s2 =	sld [smem:$0x3FC8]  }
0x91: {  	s18 =	sld [smem:$0x3FD0];
	(tm) =	ssettm $0x1  }
0x92: {  	s4 =	sld [smem:$0x3FFB];
	_ =	sdelay $0x3  }
0x93: {  	_ =	strace s4  }
0x94: {  	s4 =	sld [smem:$0x3FFC];
	_ =	sdelay $0x3  }
0x95: {  	_ =	strace s4  }
0x96: {  	s4 =	sld [smem:$0x3FFD];
	_ =	sdelay $0x3  }
0x97: {  	_ =	strace s4  }
0x98: {  	_ =	strace $0x8FFFFFFF  }
0x99: {  	s19 =	sld [smem:$0x3FDB];
	_ =	sdelay $0x1  }
0x9a: {  	s5 =	simm.s32 $_scs_section_size  }
0x9b: {  	s6 =	simm.s32 $_size__tile_overlayer_lowered;
	s7 =	simm.s32 $_tile_overlayer_lowered  }
0x9c: {  	s22 =	simm.s32 $0x1BFF;
	s21 =	sshll.u32 s7, $0x1;
	s4 =	sadd.s32 s5, s19  }
0x9d: {  	s8 =	simm.s32 $0x0;
	s20 =	sshll.u32 s6, $0x1;
	s6 =	sadd.s32 s21, s4  }
0x9e: {  	[timem:s8], [sflag:s22] =	dma.local [hbm:s6], s20  }
0x9f: {  	_ =	swait.ge [sflag:s22], s20  }
0xa0: {  	s5 =	ssub.s32 $0x0, s20;
	[sflag:s22] =	ssyncset.done $0x0  }
0xa1: {  	[sflag:s22] =	ssyncadd.s32 s5;
	_ =	sdelay $0x1  }
0xa2: {  	s23 =	simm.s32 $0x1B8B  }
0xa3: {  	_ =	swait.ge [sflag:s23], $0x1  }
0xa4: {  	[sflag:s23] =	ssyncset.done $0x0  }
0xa5: {  	s25 =	simm.s32 $0x1B8E;
	s24 =	sld [smem:$0x3FFE];
	[sflag:s23] =	ssyncadd.s32 $0xFFFFFFFF  }
0xa6: {  	s26 =	simm.s32 $execute0_lowered;
	[smem:$0x3FD2] =	sst s25  }
0xa7: {  	s6 =	sshll.u32 s26, $0x1;
	_ =	strace $0x80000046;
	[dreg:$0x1] =	wrdreg $0xFFFFFFFF  }
0xa8: {  	s28 =	simm.s32 $_size_execute0_lowered;
	s4 =	sadd.s32 s4, s6;
	[dreg:$0x0] =	wrdreg $0x0  }
0xa9: {  	s6 =	sshll.u32 s28, $0x1;
	[dreg:$0x2] =	wrdreg s4  }
0xaa: {  	[dreg:$0x3] =	wrdreg s6  }
0xab: {  	[dreg:$0x4] =	wrdreg $0xC0  }
0xac: {  	_ =	task [dreg:s8], $0x5FFFF  }
0xad: {  	[dreg:$0x1] =	wrdreg $0xFFFFFFFF  }
0xae: {  	[dreg:$0x0] =	wrdreg $0x60  }
0xaf: {  	[dreg:$0x2] =	wrdreg s24  }
0xb0: {  	[dreg:$0x3] =	wrdreg s2  }
0xb1: {  	[dreg:$0x4] =	wrdreg s18  }
0xb2: {  	[dreg:$0x5] =	wrdreg $0x9  }
0xb3: {  	_ =	task.clear_ibuf [dreg:s8], $0x6FFFF;
	_ =	strace $0x90000046  }
0xb4: {  	s29 =	simm.s32 $0x9;
	_ =	strace $0x80000048  }
0xb5: {  	_ =	swait.ge [sflag:s29], $0x1  }
0xb6: {  	[sflag:s29] =	ssyncadd.s32 $0xFFFFFFFF  }
0xb7: {  	_ =	strace $0x90000048  }
0xb8: {  	_ =	sfence  }
0xb9: {  	s30 =	sld [smem:$0x0];
	_ =	sdelay $0x2  }
0xba: {  	s31 =	sshll.u32 s1, $0xD;
	s1 =	sshrl.u32 s1, $0x2  }
0xbb: {  	s3 =	sand.u32 $0x4000, s31;
	s1 =	sadd.s32 s1, s30  }
0xbc: {  	s0 =	sor.u32 s3, s0;
	s1 =	sshll.u32 s1, $0x11  }
0xbd: {  	s0 =	sor.u32 s1, s0  }
0xbe: {  	s0 =	sadd.s32 $0x8F2B, s0  }
0xbf: {  	[sflag:s0] =	ssyncadd.remote.s32 $0x1  }
0xc0: {  	_ =	sfence.sel $0xFFFF  }
0xc1: {  	[dreg:$0x0] =	wrdreg $0xFFFFFFFF;
	(pc) =	sbr.abs _section_cstart, $3  }
0xc2: {  	[dreg:$0x1] =	wrdreg $0xFFFFFFFF  }
0xc3: {  	_ =	task.clear_ibuf [dreg:s8], $0x2FFFF;
	_ =	strace $0x9FFFFFFF  }
0xc4: {  	(tm) =	ssettm $0x7FFFFFFF  }
0xc5: {  	_ =	shalt  }
tec
execute0_lowered:
.L_overlay_start_1:
0x0: {  	(tag) =	ssettag $0x1  }
0x1: {  	s1 =	srdreg.scid  }
0x2: {  	s4 =	rddreg [dreg:$0x0];
	s0 =	stileid.u32;
	s23 =	sand.u32 $0x1, s1  }
0x3: {  	s2 =	rddreg [dreg:$0x1];
	s31 =	sshll.u32 s0, $0x9;
	s3 =	sshll.u32 s23, $0x8  }
0x4: {  	s14 =	rddreg [dreg:$0x2];
	s15 =	sor.u32 s3, s31  }
0x5: {  	s1 =	rddreg [dreg:$0x3];
	s3 =	simm.s32 $0x0;
	s5 =	sshrl.u32 s15, $0x3  }
0x6: {  	[smem:$0x7FF] =	sst s3;
	s4 =	sadd.s32 s5, s4  }
0x7: {  	_ =	strace $0x80000047;
	s5 =	simm.s32 $0x9;
	s4 =	sadd.s32 $0x1A00, s4  }
0x8: {  	[tilespmem:s3], [sflag:$0x9] =	stream.linear.gather [hbm4b:s4+s3], $0x100, $0x38;
	[tilespmem:$0x8100] =	vst v63  }
0x9: {  	_ =	swait.ge [sflag:s5], $0x100  }
0xa: {  	[sflag:s5] =	ssyncset.done $0x0  }
0xb: {  	s6 =	simm.s32 $0x40;
	s7 =	simm.s32 $0x100;
	[sflag:s5] =	ssyncadd.s32 $0xFFFFFF00  }
0xc: {  	[tilespmem:s7], [sflag:$0x1] =	stream.indirect.gather [hbm4b:s2+s6], $0x80, s3, s6, $0xb8;
	[tilespmem:$0x8100] =	vst v63  }
0xd: {  	s8 =	simm.s32 $0x2100  }
0xe: {  	[tilespmem:s8], [sflag:$0x2] =	stream.indirect.gather [hbm4b:s2+s6], $0x80, s6, s6, $0xb8;
	[tilespmem:$0x8100] =	vst v63  }
0xf: {  	s9 =	simm.s32 $0x80;
	s10 =	simm.s32 $0x4100  }
0x10: {  	[tilespmem:s10], [sflag:$0x3] =	stream.indirect.gather [hbm4b:s2+s6], $0x80, s9, s6, $0xb8;
	[tilespmem:$0x8100] =	vst v63  }
0x11: {  	s11 =	simm.s32 $0xC0;
	s12 =	simm.s32 $0x6100;
	s13 =	simm.s32 $0x1  }
0x12: {  	[tilespmem:s12], [sflag:$0x4] =	stream.indirect.gather [hbm4b:s2+s6], $0x80, s11, s6, $0xb8;
	[tilespmem:$0x8100] =	vst v63  }
0x13: {  	_ =	swait.ge [sflag:s13], $0x2000  }
0x14: {  	s15 =	sshll.u32 s15, $0x4;
	[sflag:s13] =	ssyncset.done $0x0  }
0x15: {  	s14 =	sadd.s32 s14, s15;
	s15 =	simm.s32 $0x2;
	[sflag:s13] =	ssyncadd.s32 $0xFFFFE000  }
0x16: {  	[hbm4b:s14+s3] =	stream.linear.scatter [tilespmem:s7], [sflag:$0x5], $0x2000, $0x38;
	[tilespmem:$0x8100] =	vst v63  }
0x17: {  	_ =	swait.ge [sflag:s15], $0x2000  }
0x18: {  	[sflag:s15] =	ssyncset.done $0x0  }
0x19: {  	s17 =	simm.s32 $0x3;
	s16 =	sadd.s32 $0x400, s14;
	[sflag:s15] =	ssyncadd.s32 $0xFFFFE000  }
0x1a: {  	[hbm4b:s16+s3] =	stream.linear.scatter [tilespmem:s8], [sflag:$0x6], $0x2000, $0x38;
	[tilespmem:$0x8100] =	vst v63  }
0x1b: {  	_ =	swait.ge [sflag:s17], $0x2000  }
0x1c: {  	[sflag:s17] =	ssyncset.done $0x0  }
0x1d: {  	s19 =	simm.s32 $0x4;
	s18 =	sadd.s32 $0x800, s14;
	[sflag:s17] =	ssyncadd.s32 $0xFFFFE000  }
0x1e: {  	[hbm4b:s18+s3] =	stream.linear.scatter [tilespmem:s10], [sflag:$0x7], $0x2000, $0x38;
	[tilespmem:$0x8100] =	vst v63  }
0x1f: {  	_ =	swait.ge [sflag:s19], $0x2000  }
0x20: {  	[sflag:s19] =	ssyncset.done $0x0  }
0x21: {  	s21 =	simm.s32 $0x5;
	s20 =	sadd.s32 $0xC00, s14;
	[sflag:s19] =	ssyncadd.s32 $0xFFFFE000  }
0x22: {  	[hbm4b:s20+s3] =	stream.linear.scatter [tilespmem:s12], [sflag:$0x8], $0x2000, $0x38;
	[tilespmem:$0x8100] =	vst v63  }
0x23: {  	_ =	swait.ge [sflag:s21], $0x2000  }
0x24: {  	s24 =	ssub.s32 $0x2, s23;
	[sflag:s21] =	ssyncset.done $0x0  }
0x25: {  	s22 =	simm.s32 $0x6;
	s25 =	sshrl.u32 s24, $0x1;
	[sflag:s21] =	ssyncadd.s32 $0xFFFFE000  }
0x26: {  	s24 =	ssub.s32 s24, s25;
	_ =	swait.ge [sflag:s22], $0x2000  }
0x27: {  	s25 =	smax.u32 s24, $0x1;
	[sflag:s22] =	ssyncset.done $0x0  }
0x28: {  	s23 =	simm.s32 $0x7;
	p0 =	sne.s32 s25, $0x1;
	[sflag:s22] =	ssyncadd.s32 $0xFFFFE000  }
.Ltmp0:
0x29: {  	_ =	swait.ge [sflag:s23], $0x2000;
	(pc) =	sbr.rel @!p0 .LBB2_2-.Ltmp0, $4  }
0x2a: {  	[sflag:s23] =	ssyncset.done $0x0  }
0x2b: {  	s24 =	simm.s32 $0x8;
	[sflag:s23] =	ssyncadd.s32 $0xFFFFE000  }
0x2c: {  	_ =	swait.ge [sflag:s24], $0x2000  }
0x2d: {  	s25 =	sadd.s32 $0xFFFFFFFF, s25;
	[sflag:s24] =	ssyncset.done $0x0  }
.LBB2_1:
0x2e: {  	p0 =	sne.s32 s25, $0x1;
	s25 =	sadd.s32 $0xFFFFFFFF, s25;
	[sflag:s24] =	ssyncadd.s32 $0xFFFFE000  }
0x2f: {  	[tilespmem:s3], [sflag:$0x9] =	stream.linear.gather [hbm4b:s4+s3], $0x100, $0x38;
	[tilespmem:$0x8100] =	vst v63  }
0x30: {  	_ =	swait.ge [sflag:s5], $0x100  }
0x31: {  	[sflag:s5] =	ssyncset.done $0x0  }
0x32: {  	[sflag:s5] =	ssyncadd.s32 $0xFFFFFF00  }
0x33: {  	[tilespmem:s7], [sflag:$0x1] =	stream.indirect.gather [hbm4b:s2+s6], $0x80, s3, s6, $0xb8;
	[tilespmem:$0x8100] =	vst v63  }
0x34: {  	_ = 	snop  }
0x35: {  	[tilespmem:s8], [sflag:$0x2] =	stream.indirect.gather [hbm4b:s2+s6], $0x80, s6, s6, $0xb8;
	[tilespmem:$0x8100] =	vst v63  }
0x36: {  	_ = 	snop  }
0x37: {  	[tilespmem:s10], [sflag:$0x3] =	stream.indirect.gather [hbm4b:s2+s6], $0x80, s9, s6, $0xb8;
	[tilespmem:$0x8100] =	vst v63  }
0x38: {  	_ = 	snop  }
0x39: {  	[tilespmem:s12], [sflag:$0x4] =	stream.indirect.gather [hbm4b:s2+s6], $0x80, s11, s6, $0xb8;
	[tilespmem:$0x8100] =	vst v63  }
0x3a: {  	_ =	swait.ge [sflag:s13], $0x2000  }
0x3b: {  	[sflag:s13] =	ssyncset.done $0x0  }
0x3c: {  	[sflag:s13] =	ssyncadd.s32 $0xFFFFE000  }
0x3d: {  	[hbm4b:s14+s3] =	stream.linear.scatter [tilespmem:s7], [sflag:$0x5], $0x2000, $0x38;
	[tilespmem:$0x8100] =	vst v63  }
0x3e: {  	_ =	swait.ge [sflag:s15], $0x2000  }
0x3f: {  	[sflag:s15] =	ssyncset.done $0x0  }
0x40: {  	[sflag:s15] =	ssyncadd.s32 $0xFFFFE000  }
0x41: {  	[hbm4b:s16+s3] =	stream.linear.scatter [tilespmem:s8], [sflag:$0x6], $0x2000, $0x38;
	[tilespmem:$0x8100] =	vst v63  }
0x42: {  	_ =	swait.ge [sflag:s17], $0x2000  }
0x43: {  	[sflag:s17] =	ssyncset.done $0x0  }
0x44: {  	[sflag:s17] =	ssyncadd.s32 $0xFFFFE000  }
0x45: {  	[hbm4b:s18+s3] =	stream.linear.scatter [tilespmem:s10], [sflag:$0x7], $0x2000, $0x38;
	[tilespmem:$0x8100] =	vst v63  }
0x46: {  	_ =	swait.ge [sflag:s19], $0x2000  }
0x47: {  	[sflag:s19] =	ssyncset.done $0x0  }
0x48: {  	[sflag:s19] =	ssyncadd.s32 $0xFFFFE000  }
0x49: {  	[hbm4b:s20+s3] =	stream.linear.scatter [tilespmem:s12], [sflag:$0x8], $0x2000, $0x38;
	[tilespmem:$0x8100] =	vst v63  }
0x4a: {  	_ =	swait.ge [sflag:s21], $0x2000  }
0x4b: {  	[sflag:s21] =	ssyncset.done $0x0  }
0x4c: {  	[sflag:s21] =	ssyncadd.s32 $0xFFFFE000  }
0x4d: {  	_ =	swait.ge [sflag:s22], $0x2000  }
0x4e: {  	[sflag:s22] =	ssyncset.done $0x0  }
0x4f: {  	[sflag:s22] =	ssyncadd.s32 $0xFFFFE000  }
.Ltmp1:
0x50: {  	_ =	swait.ge [sflag:s23], $0x2000;
	(pc) =	sbr.rel @p0 .LBB2_1-.Ltmp1, $4  }
0x51: {  	[sflag:s23] =	ssyncset.done $0x0  }
0x52: {  	[sflag:s23] =	ssyncadd.s32 $0xFFFFE000  }
0x53: {  	_ =	swait.ge [sflag:s24], $0x2000  }
0x54: {  	[sflag:s24] =	ssyncset.done $0x0  }
.LBB2_2:
0x55: {  	[sflag:s24] =	ssyncadd.s32 $0xFFFFE000  }
0x56: {  	_ =	sfence.sel $0x180000  }
0x57: {  	[bflag:$0x0] =	sbarrier.arrive $0xFFFF  }
0x58: {  	p0 =	sne.s32 s0, $0x0;
	_ =	strace $0x90000047  }
0x59: {  	s0 =	sadd.s32 @!p0 $0x100000, s1;
	[bflag:$0x2] =	sbarrier.arrive $0xFFFF  }
0x5a: {  	[sflag:s0] =	ssyncadd.tile.s32 @!p0 $0x1;
	_ =	shalt  }
.Lfunc_end2:
_tile_overlayer_lowered:
.L_overlay_start_2:
0x5b: {  	(tag) =	ssettag $0x2  }
0x5c: {  	s0 =	rddreg [dreg:$0x0];
	s2 =	stileid.u32  }
0x5d: {  	s1 =	rddreg [dreg:$0x1];
	p0 =	sne.s32 s2, $0x0  }
0x5e: {  	s3 =	rddreg [dreg:$0x2];
	[bflag:$0x3] =	sbarrier.arrive $0xFFFF;
	s2 =	simm.s32 @!p0 $0x1C09  }
0x5f: {  	[timem:s3], [sflag:s2] =	dma.local @!p0 [hbm:s0], s1  }
0x60: {  	s0 =	simm.s32 @!p0 $0x9  }
0x61: {  	_ =	swait.ge @!p0 [sflag:s0], s1  }
0x62: {  	s1 =	ssub.s32 @!p0 $0x0, s1;
	[sflag:s0] =	ssyncset.done @!p0 $0x0  }
0x63: {  	[sflag:s0] =	ssyncadd.s32 @!p0 s1  }
0x64: {  	[bflag:$0x3] =	sbarrier.arrive $0xFFFF  }
0x65: {  	_ =	shalt  }

</sc_bundles>
